<compile_context>
chip_gen: v7x
topology: tpu7x:2x2x1
jax: 0.10.2.dev20260603
libtpu: 0.0.44.dev20260713+nightly
codegen_flags: <defaults>
</compile_context>

<pallas_src>
import functools

import jax
import jax.numpy as jnp
from jax import lax
from jax.experimental import pallas as pl
from jax.experimental.pallas import tpu as pltpu
from jax.experimental.pallas import tpu_sc as plsc

N = 10000
E = 320000
D = 128
H = 128
C = 64

NC = 2
NS = 16
NW = NC * NS

NP = 10240
RPS = NP // NS
B = 128
CHP = 80
SLAB = 40
EPAD = NW * CHP * B

_mesh = plsc.VectorSubcoreMesh(
    core_axis_name="c", subcore_axis_name="s", num_cores=NC, num_subcores=NS
)


@functools.partial(
    pl.kernel,
    out_type=jax.ShapeDtypeStruct((NC, 1, NP), jnp.float32),
    mesh=_mesh,
    scratch_types=[
        pltpu.VMEM((B,), jnp.float32),
        pltpu.VMEM((CHP, B), jnp.int32),
        pltpu.VMEM_SHARED((NP,), jnp.float32),
    ],
)
def _deg_kernel(dst_hbm, zero_hbm, out_hbm, ones_v, idx_v, deg_sh):
    c = lax.axis_index("c")
    s = lax.axis_index("s")
    wid = c * NS + s
    for i in range(B // 16):
        ones_v[pl.ds(i * 16, 16)] = jnp.ones((16,), jnp.float32)
    pltpu.sync_copy(zero_hbm.at[pl.ds(s * RPS, RPS)], deg_sh.at[pl.ds(s * RPS, RPS)])
    plsc.subcore_barrier()
    pltpu.sync_copy(dst_hbm.at[wid], idx_v)

    def chunk(j, carry):
        pltpu.sync_copy(ones_v, deg_sh.at[idx_v.at[j]], add=True)
        return carry

    lax.fori_loop(0, CHP, chunk, 0)
    plsc.subcore_barrier()
    pltpu.sync_copy(
        deg_sh.at[pl.ds(s * RPS, RPS)], out_hbm.at[c, 0, pl.ds(s * RPS, RPS)]
    )


def _make_agg_kernel(width, tc_tiling=True):
    @functools.partial(
        pl.kernel,
        out_type=jax.ShapeDtypeStruct((NC, NP, width), jnp.float32),
        mesh=_mesh,
        compiler_params=pltpu.CompilerParams(use_tc_tiling_on_sc=tc_tiling),
        scratch_types=[
            pltpu.VMEM((SLAB, B), jnp.int32),
            pltpu.VMEM((SLAB, B), jnp.int32),
            pltpu.VMEM((B, width), jnp.float32),
            pltpu.VMEM((B, width), jnp.float32),
            pltpu.VMEM_SHARED((NP, width), jnp.float32),
            pltpu.SemaphoreType.DMA,
            pltpu.SemaphoreType.DMA,
        ],
    )
    def _agg(
        y_hbm, src_hbm, dst_hbm, out_hbm, idxs_v, idxd_v, rows0_v, rows1_v,
        agg_sh, sem0, sem1,
    ):
        c = lax.axis_index("c")
        s = lax.axis_index("s")
        wid = c * NS + s
        pltpu.sync_copy(y_hbm.at[pl.ds(s * RPS, RPS)], agg_sh.at[pl.ds(s * RPS, RPS)])
        plsc.subcore_barrier()
        for half in range(CHP // SLAB):
            pltpu.sync_copy(src_hbm.at[wid, pl.ds(half * SLAB, SLAB)], idxs_v)
            pltpu.sync_copy(dst_hbm.at[wid, pl.ds(half * SLAB, SLAB)], idxd_v)
            pltpu.async_copy(y_hbm.at[idxs_v.at[0]], rows0_v, sem0)

            def pair(i, carry):
                j = 2 * i
                pltpu.async_copy(y_hbm.at[idxs_v.at[j + 1]], rows1_v, sem1)
                pltpu.make_async_copy(y_hbm.at[idxs_v.at[j]], rows0_v, sem0).wait()
                pltpu.sync_copy(rows0_v, agg_sh.at[idxd_v.at[j]], add=True)

                @pl.when(j + 2 < SLAB)
                def _():
                    pltpu.async_copy(y_hbm.at[idxs_v.at[j + 2]], rows0_v, sem0)

                pltpu.make_async_copy(y_hbm.at[idxs_v.at[j + 1]], rows1_v, sem1).wait()
                pltpu.sync_copy(rows1_v, agg_sh.at[idxd_v.at[j + 1]], add=True)
                return carry

            lax.fori_loop(0, SLAB // 2, pair, 0)
        plsc.subcore_barrier()
        pltpu.sync_copy(
            agg_sh.at[pl.ds(s * RPS, RPS)], out_hbm.at[c, pl.ds(s * RPS, RPS)]
        )

    return _agg


_agg128 = _make_agg_kernel(D)
_agg64 = _make_agg_kernel(C, tc_tiling=False)


_BR = NP // 8


def _dinv_from(degp_ref):
    i = pl.program_id(0)
    sl = pl.ds(i * _BR, _BR)
    deg = degp_ref[0, sl] + degp_ref[1, sl] + 1.0
    return lax.rsqrt(deg)


def _tc1_body(x_ref, w_ref, degp_ref, y_ref):
    dinv = _dinv_from(degp_ref)
    xw = jnp.dot(x_ref[...], w_ref[...], preferred_element_type=jnp.float32)
    y_ref[...] = xw * dinv[:, None]


def _tc2_body(aggp_ref, y1_ref, degp_ref, w2_ref, b1_ref, y2_ref):
    dinv = _dinv_from(degp_ref)
    aggt = aggp_ref[0] + aggp_ref[1] - y1_ref[...]
    h = jnp.maximum(aggt * dinv[:, None] + b1_ref[0][None, :], 0.0)
    hw = jnp.dot(h, w2_ref[...], preferred_element_type=jnp.float32)
    y2_ref[...] = hw * dinv[:, None]


def _tc3_body(aggp_ref, y2_ref, degp_ref, b2_ref, z_ref):
    dinv = _dinv_from(degp_ref)
    aggt = aggp_ref[0] + aggp_ref[1] - y2_ref[...]
    o = aggt * dinv[:, None] + b2_ref[0][None, :]
    m = jnp.max(o, axis=1, keepdims=True)
    ex = jnp.exp(o - m)
    lse = jnp.log(jnp.sum(ex, axis=1, keepdims=True))
    z_ref[...] = (o - m) - lse


def _row_spec(width):
    return pl.BlockSpec((_BR, width), lambda i: (i, 0))


_degp_spec = pl.BlockSpec((NC, NP), lambda i: (0, 0))


def _tc1(x, w1, degp):
    return pl.pallas_call(
        _tc1_body,
        grid=(NP // _BR,),
        in_specs=[
            _row_spec(D),
            pl.BlockSpec((D, H), lambda i: (0, 0)),
            _degp_spec,
        ],
        out_specs=_row_spec(H),
        out_shape=jax.ShapeDtypeStruct((NP, H), jnp.float32),
    )(x, w1, degp)


def _tc2(aggp, y1, degp, w2, b1):
    return pl.pallas_call(
        _tc2_body,
        grid=(NP // _BR,),
        in_specs=[
            pl.BlockSpec((NC, _BR, H), lambda i: (0, i, 0)),
            _row_spec(H),
            _degp_spec,
            pl.BlockSpec((H, C), lambda i: (0, 0)),
            pl.BlockSpec((1, H), lambda i: (0, 0)),
        ],
        out_specs=_row_spec(C),
        out_shape=jax.ShapeDtypeStruct((NP, C), jnp.float32),
    )(aggp, y1, degp, w2, b1)


def _tc3(aggp, y2, degp, b2):
    return pl.pallas_call(
        _tc3_body,
        grid=(NP // _BR,),
        in_specs=[
            pl.BlockSpec((NC, _BR, C), lambda i: (0, i, 0)),
            _row_spec(C),
            _degp_spec,
            pl.BlockSpec((1, C), lambda i: (0, 0)),
        ],
        out_specs=_row_spec(C),
        out_shape=jax.ShapeDtypeStruct((NP, C), jnp.float32),
    )(aggp, y2, degp, b2)


@jax.jit
def kernel(x, edge_index, W1, b1, W2, b2):
    ppt = (EPAD - E) // NW
    padv = (N + jnp.arange(ppt, dtype=jnp.int32) % (NP - N))[None, :]
    pad = jnp.broadcast_to(padv, (NW, ppt))
    src2d = jnp.concatenate(
        [edge_index[0].astype(jnp.int32).reshape(NW, E // NW), pad], axis=1
    ).reshape(NW, CHP, B)
    dst2d = jnp.concatenate(
        [edge_index[1].astype(jnp.int32).reshape(NW, E // NW), pad], axis=1
    ).reshape(NW, CHP, B)
    xp = jnp.pad(x, ((0, NP - N), (0, 0)))
    zeros = jnp.zeros((NP,), jnp.float32)

    degp = _deg_kernel(dst2d, zeros).reshape(NC, NP)
    y1 = _tc1(xp, W1, degp)
    aggp1 = _agg128(y1, src2d, dst2d)
    y2 = _tc2(aggp1, y1, degp, W2, b1.reshape(1, H))
    aggp2 = _agg64(y2, src2d, dst2d)
    z = _tc3(aggp2, y2, degp, b2.reshape(1, C))
    return z[:N]

# --- scband reference (transcript-rebuilt; emitter-appended) ---
"""Pipeline reference for scband-gcn-31310311588039 (READ-ONLY COPY).

The authoritative reference and input builder live on the scoring server;
editing this copy changes nothing except your own understanding.
"""

import jax, jax.numpy as jnp
import numpy as np

N = 10000
E = 320000
D = 128
H = 128
C = 64


def gcn_conv(x, edge_index, W, b, num_nodes):
    # GCNConv: add self-loops, symmetric normalization, linear transform, scatter-add aggregate
    src = edge_index[0]
    dst = edge_index[1]
    loop = jnp.arange(num_nodes, dtype=src.dtype)
    src = jnp.concatenate([src, loop])
    dst = jnp.concatenate([dst, loop])
    deg = jnp.zeros((num_nodes,), dtype=x.dtype).at[dst].add(1.0)
    dinv = jnp.where(deg > 0, 1.0 / jnp.sqrt(deg), 0.0)
    norm = dinv[src] * dinv[dst]
    xw = x @ W
    msg = xw[src] * norm[:, None]
    out = jax.ops.segment_sum(msg, dst, num_segments=num_nodes)
    return out + b


def setup_inputs(seed: int = 0) -> dict:
    key = jax.random.key(seed)
    k1, k2, k3, k4, k5, k6 = jax.random.split(key, 6)
    x = jax.random.normal(k1, (N, D), dtype=jnp.float32)
    edge_index = jax.random.randint(k2, (2, E), 0, N)
    W1 = jax.random.normal(k3, (D, H), dtype=jnp.float32) * (1.0 / np.sqrt(D))
    b1 = jnp.zeros((H,), dtype=jnp.float32)
    W2 = jax.random.normal(k4, (H, C), dtype=jnp.float32) * (1.0 / np.sqrt(H))
    b2 = jnp.zeros((C,), dtype=jnp.float32)
    return {"x": x, "edge_index": edge_index, "W1": W1, "b1": b1, "W2": W2, "b2": b2}


def reference(x, edge_index, W1, b1, W2, b2):
    h = gcn_conv(x, edge_index, W1, b1, N)
    h = jax.nn.relu(h)
    # dropout p=0.5 is identity in eval mode (training=False)
    out = gcn_conv(h, edge_index, W2, b2, N)
    return jax.nn.log_softmax(out, axis=1)

if __name__ == "__main__":
    import jax
    _d = setup_inputs()
    print(jax.jit(kernel)(*tuple(_d.values())))

</pallas_src>

<mosaic_0001>
#map = affine_map<(d0, d1) -> (0, 0)>
#map1 = affine_map<(d0, d1) -> (0, 0, 0)>
module attributes {stable_mosaic.version = 14 : i64} {
  func.func @_agg(%arg0: i32, %arg1: i32, %arg2: memref<10240x64xf32, #tpu.memory_space<hbm>>, %arg3: memref<32x80x128xi32, #tpu.memory_space<hbm>>, %arg4: memref<32x80x128xi32, #tpu.memory_space<hbm>>, %arg5: memref<2x10240x64xf32, #tpu.memory_space<hbm>>, %arg6: memref<40x128xi32, #tpu.memory_space<vmem>>, %arg7: memref<40x128xi32, #tpu.memory_space<vmem>>, %arg8: memref<128x64xf32, #tpu.memory_space<vmem>>, %arg9: memref<128x64xf32, #tpu.memory_space<vmem>>, %arg10: memref<10240x64xf32, #tpu.memory_space<vmem_shared>>, %arg11: memref<!tpu.dma_semaphore, #tpu.memory_space<semaphore_mem>>, %arg12: memref<!tpu.dma_semaphore, #tpu.memory_space<semaphore_mem>>) attributes {dimension_semantics = [#tpu.dimension_semantics<core_parallel>, #tpu.dimension_semantics<subcore_parallel>], iteration_bounds = array<i64: 2, 16>, scalar_prefetch = 0 : i64, scratch_operands = 7 : i64, tpu.core_type = #tpu.core_type<sc_vector_subcore>, window_params = [{transform_indices = #map}, {transform_indices = #map1}, {transform_indices = #map1}, {transform_indices = #map1}]} {
    %mul3A = arith.constant 16 : i32
    %mul3A_0 = arith.muli %arg0, %mul3A : i32
    %add3A = arith.addi %mul3A_0, %arg1 : i32
    %mul3A_1 = arith.constant 640 : i32
    %mul3A_2 = arith.muli %arg1, %mul3A_1 : i32
    %mul3A_3 = arith.constant 640 : i32
    %mul3A_4 = arith.muli %arg1, %mul3A_3 : i32
    "tpu.region"() ({
      %run_scoped3A = tpu.sem_alloc : memref<!tpu.dma_semaphore, #tpu.memory_space<semaphore_mem>>
      %dma_start3A_34 = arith.constant 0 : i32
      %dma_start3A_35 = tpu.memref_slice %arg10[%mul3A_4, %dma_start3A_34] : memref<10240x64xf32, #tpu.memory_space<vmem_shared>> -> memref<640x64xf32, #tpu.memory_space<vmem_shared>>
      %dma_start3A_36 = arith.constant 0 : i32
      %dma_start3A_37 = tpu.memref_slice %arg2[%mul3A_2, %dma_start3A_36] : memref<10240x64xf32, #tpu.memory_space<hbm>> -> memref<640x64xf32, #tpu.memory_space<hbm>>
      tpu.enqueue_dma source(%dma_start3A_37 : memref<640x64xf32, #tpu.memory_space<hbm>>) target(%dma_start3A_35 : memref<640x64xf32, #tpu.memory_space<vmem_shared>>) target_semaphore(%run_scoped3A : memref<!tpu.dma_semaphore, #tpu.memory_space<semaphore_mem>>)
      %dma_wait3A = arith.constant 0 : i32
      %dma_wait3A_38 = tpu.memref_slice %arg10[%mul3A_4, %dma_wait3A] : memref<10240x64xf32, #tpu.memory_space<vmem_shared>> -> memref<640x64xf32, #tpu.memory_space<vmem_shared>>
      %dma_wait3A_39 = arith.constant 0 : i32
      %dma_wait3A_40 = tpu.memref_slice %arg2[%mul3A_2, %dma_wait3A_39] : memref<10240x64xf32, #tpu.memory_space<hbm>> -> memref<640x64xf32, #tpu.memory_space<hbm>>
      tpu.wait_dma2 semaphore(%run_scoped3A : memref<!tpu.dma_semaphore, #tpu.memory_space<semaphore_mem>>) src(%dma_wait3A_40 : memref<640x64xf32, #tpu.memory_space<hbm>>) dst(%dma_wait3A_38 : memref<640x64xf32, #tpu.memory_space<vmem_shared>>)
      tpu.yield
    }) : () -> ()
    %barrier3A = arith.constant 0 : index
    tpu.barrier barrier_id(%barrier3A)
    "tpu.region"() ({
      %run_scoped3A = tpu.sem_alloc : memref<!tpu.dma_semaphore, #tpu.memory_space<semaphore_mem>>
      %dma_start3A_34 = arith.constant 0 : i32
      %dma_start3A_35 = arith.constant 0 : i32
      %dma_start3A_36 = tpu.memref_slice %arg3[%add3A, %dma_start3A_34, %dma_start3A_35] : memref<32x80x128xi32, #tpu.memory_space<hbm>> -> memref<1x40x128xi32, #tpu.memory_space<hbm>>
      %dma_start3A_37 = tpu.memref_squeeze %dma_start3A_36 : memref<1x40x128xi32, #tpu.memory_space<hbm>> -> memref<40x128xi32, #tpu.memory_space<hbm>>
      %dma_start3A_38 = arith.constant 0 : i32
      %dma_start3A_39 = arith.constant 0 : i32
      %dma_start3A_40 = tpu.memref_slice %arg3[%add3A, %dma_start3A_38, %dma_start3A_39] : memref<32x80x128xi32, #tpu.memory_space<hbm>> -> memref<1x40x128xi32, #tpu.memory_space<hbm>>
      %dma_start3A_41 = tpu.memref_squeeze %dma_start3A_40 : memref<1x40x128xi32, #tpu.memory_space<hbm>> -> memref<40x128xi32, #tpu.memory_space<hbm>>
      tpu.enqueue_dma source(%dma_start3A_41 : memref<40x128xi32, #tpu.memory_space<hbm>>) target(%arg6 : memref<40x128xi32, #tpu.memory_space<vmem>>) target_semaphore(%run_scoped3A : memref<!tpu.dma_semaphore, #tpu.memory_space<semaphore_mem>>)
      %dma_wait3A = arith.constant 0 : i32
      %dma_wait3A_42 = arith.constant 0 : i32
      %dma_wait3A_43 = tpu.memref_slice %arg3[%add3A, %dma_wait3A, %dma_wait3A_42] : memref<32x80x128xi32, #tpu.memory_space<hbm>> -> memref<1x40x128xi32, #tpu.memory_space<hbm>>
      %dma_wait3A_44 = tpu.memref_squeeze %dma_wait3A_43 : memref<1x40x128xi32, #tpu.memory_space<hbm>> -> memref<40x128xi32, #tpu.memory_space<hbm>>
      %dma_wait3A_45 = arith.constant 0 : i32
      %dma_wait3A_46 = arith.constant 0 : i32
      %dma_wait3A_47 = tpu.memref_slice %arg3[%add3A, %dma_wait3A_45, %dma_wait3A_46] : memref<32x80x128xi32, #tpu.memory_space<hbm>> -> memref<1x40x128xi32, #tpu.memory_space<hbm>>
      %dma_wait3A_48 = tpu.memref_squeeze %dma_wait3A_47 : memref<1x40x128xi32, #tpu.memory_space<hbm>> -> memref<40x128xi32, #tpu.memory_space<hbm>>
      tpu.wait_dma2 semaphore(%run_scoped3A : memref<!tpu.dma_semaphore, #tpu.memory_space<semaphore_mem>>) src(%dma_wait3A_48 : memref<40x128xi32, #tpu.memory_space<hbm>>) dst(%arg6 : memref<40x128xi32, #tpu.memory_space<vmem>>)
      tpu.yield
    }) : () -> ()
    "tpu.region"() ({
      %run_scoped3A = tpu.sem_alloc : memref<!tpu.dma_semaphore, #tpu.memory_space<semaphore_mem>>
      %dma_start3A_34 = arith.constant 0 : i32
      %dma_start3A_35 = arith.constant 0 : i32
      %dma_start3A_36 = tpu.memref_slice %arg4[%add3A, %dma_start3A_34, %dma_start3A_35] : memref<32x80x128xi32, #tpu.memory_space<hbm>> -> memref<1x40x128xi32, #tpu.memory_space<hbm>>
      %dma_start3A_37 = tpu.memref_squeeze %dma_start3A_36 : memref<1x40x128xi32, #tpu.memory_space<hbm>> -> memref<40x128xi32, #tpu.memory_space<hbm>>
      %dma_start3A_38 = arith.constant 0 : i32
      %dma_start3A_39 = arith.constant 0 : i32
      %dma_start3A_40 = tpu.memref_slice %arg4[%add3A, %dma_start3A_38, %dma_start3A_39] : memref<32x80x128xi32, #tpu.memory_space<hbm>> -> memref<1x40x128xi32, #tpu.memory_space<hbm>>
      %dma_start3A_41 = tpu.memref_squeeze %dma_start3A_40 : memref<1x40x128xi32, #tpu.memory_space<hbm>> -> memref<40x128xi32, #tpu.memory_space<hbm>>
      tpu.enqueue_dma source(%dma_start3A_41 : memref<40x128xi32, #tpu.memory_space<hbm>>) target(%arg7 : memref<40x128xi32, #tpu.memory_space<vmem>>) target_semaphore(%run_scoped3A : memref<!tpu.dma_semaphore, #tpu.memory_space<semaphore_mem>>)
      %dma_wait3A = arith.constant 0 : i32
      %dma_wait3A_42 = arith.constant 0 : i32
      %dma_wait3A_43 = tpu.memref_slice %arg4[%add3A, %dma_wait3A, %dma_wait3A_42] : memref<32x80x128xi32, #tpu.memory_space<hbm>> -> memref<1x40x128xi32, #tpu.memory_space<hbm>>
      %dma_wait3A_44 = tpu.memref_squeeze %dma_wait3A_43 : memref<1x40x128xi32, #tpu.memory_space<hbm>> -> memref<40x128xi32, #tpu.memory_space<hbm>>
      %dma_wait3A_45 = arith.constant 0 : i32
      %dma_wait3A_46 = arith.constant 0 : i32
      %dma_wait3A_47 = tpu.memref_slice %arg4[%add3A, %dma_wait3A_45, %dma_wait3A_46] : memref<32x80x128xi32, #tpu.memory_space<hbm>> -> memref<1x40x128xi32, #tpu.memory_space<hbm>>
      %dma_wait3A_48 = tpu.memref_squeeze %dma_wait3A_47 : memref<1x40x128xi32, #tpu.memory_space<hbm>> -> memref<40x128xi32, #tpu.memory_space<hbm>>
      tpu.wait_dma2 semaphore(%run_scoped3A : memref<!tpu.dma_semaphore, #tpu.memory_space<semaphore_mem>>) src(%dma_wait3A_48 : memref<40x128xi32, #tpu.memory_space<hbm>>) dst(%arg7 : memref<40x128xi32, #tpu.memory_space<vmem>>)
      tpu.yield
    }) : () -> ()
    %dma_start3A = arith.constant 0 : i32
    %dma_start3A_5 = arith.constant 0 : i32
    %dma_start3A_6 = tpu.memref_slice %arg6[%dma_start3A, %dma_start3A_5] : memref<40x128xi32, #tpu.memory_space<vmem>> -> memref<1x128xi32, #tpu.memory_space<vmem>>
    %dma_start3A_7 = tpu.memref_squeeze %dma_start3A_6 : memref<1x128xi32, #tpu.memory_space<vmem>> -> memref<128xi32, #tpu.memory_space<vmem>>
    %dma_start3A_8 = arith.constant 0 : i32
    %dma_start3A_9 = arith.constant 0 : i32
    %dma_start3A_10 = tpu.memref_slice %arg2[%dma_start3A_8, %dma_start3A_9] : memref<10240x64xf32, #tpu.memory_space<hbm>> -> memref<10240x64xf32, #tpu.memory_space<hbm>>
    tpu.enqueue_indirect_dma source(%dma_start3A_10 : memref<10240x64xf32, #tpu.memory_space<hbm>>) target(%arg8 : memref<128x64xf32, #tpu.memory_space<vmem>>) offsets(%dma_start3A_7 : memref<128xi32, #tpu.memory_space<vmem>>) semaphore(%arg11 : memref<!tpu.dma_semaphore, #tpu.memory_space<semaphore_mem>>)
    %scan3A = arith.constant 0 : i32
    %scan3A_11 = arith.constant 0 : i32
    %scan3A_12 = arith.constant 20 : i32
    %scan3A_13 = arith.addi %scan3A_11, %scan3A_12 : i32
    %scan3A_14 = arith.constant 1 : i32
    scf.for %scan3A_34 = %scan3A_11 to %scan3A_13 step %scan3A_14  : i32 {
      %mul3A_35 = arith.constant 2 : i32
      %mul3A_36 = arith.muli %mul3A_35, %scan3A_34 : i32
      %add3A_37 = arith.constant 1 : i32
      %add3A_38 = arith.addi %mul3A_36, %add3A_37 : i32
      %dma_start3A_39 = arith.constant 0 : i32
      %dma_start3A_40 = tpu.memref_slice %arg6[%add3A_38, %dma_start3A_39] : memref<40x128xi32, #tpu.memory_space<vmem>> -> memref<1x128xi32, #tpu.memory_space<vmem>>
      %dma_start3A_41 = tpu.memref_squeeze %dma_start3A_40 : memref<1x128xi32, #tpu.memory_space<vmem>> -> memref<128xi32, #tpu.memory_space<vmem>>
      %dma_start3A_42 = arith.constant 0 : i32
      %dma_start3A_43 = arith.constant 0 : i32
      %dma_start3A_44 = tpu.memref_slice %arg2[%dma_start3A_42, %dma_start3A_43] : memref<10240x64xf32, #tpu.memory_space<hbm>> -> memref<10240x64xf32, #tpu.memory_space<hbm>>
      tpu.enqueue_indirect_dma source(%dma_start3A_44 : memref<10240x64xf32, #tpu.memory_space<hbm>>) target(%arg9 : memref<128x64xf32, #tpu.memory_space<vmem>>) offsets(%dma_start3A_41 : memref<128xi32, #tpu.memory_space<vmem>>) semaphore(%arg12 : memref<!tpu.dma_semaphore, #tpu.memory_space<semaphore_mem>>)
      %dma_wait3A = arith.constant 0 : i32
      %dma_wait3A_45 = tpu.memref_slice %arg6[%mul3A_36, %dma_wait3A] : memref<40x128xi32, #tpu.memory_space<vmem>> -> memref<1x128xi32, #tpu.memory_space<vmem>>
      %dma_wait3A_46 = tpu.memref_squeeze %dma_wait3A_45 : memref<1x128xi32, #tpu.memory_space<vmem>> -> memref<128xi32, #tpu.memory_space<vmem>>
      %dma_wait3A_47 = arith.constant 0 : i32
      %dma_wait3A_48 = arith.constant 0 : i32
      %dma_wait3A_49 = tpu.memref_slice %arg2[%dma_wait3A_47, %dma_wait3A_48] : memref<10240x64xf32, #tpu.memory_space<hbm>> -> memref<10240x64xf32, #tpu.memory_space<hbm>>
      tpu.wait_indirect_dma semaphore(%arg11 : memref<!tpu.dma_semaphore, #tpu.memory_space<semaphore_mem>>) src(%dma_wait3A_49 : memref<10240x64xf32, #tpu.memory_space<hbm>>) dst(%arg8 : memref<128x64xf32, #tpu.memory_space<vmem>>)
      "tpu.region"() ({
        %run_scoped3A = tpu.sem_alloc : memref<!tpu.dma_semaphore, #tpu.memory_space<semaphore_mem>>
        %dma_start3A_64 = arith.constant 0 : i32
        %dma_start3A_65 = tpu.memref_slice %arg7[%mul3A_36, %dma_start3A_64] : memref<40x128xi32, #tpu.memory_space<vmem>> -> memref<1x128xi32, #tpu.memory_space<vmem>>
        %dma_start3A_66 = tpu.memref_squeeze %dma_start3A_65 : memref<1x128xi32, #tpu.memory_space<vmem>> -> memref<128xi32, #tpu.memory_space<vmem>>
        %dma_start3A_67 = arith.constant 0 : i32
        %dma_start3A_68 = arith.constant 0 : i32
        %dma_start3A_69 = tpu.memref_slice %arg10[%dma_start3A_67, %dma_start3A_68] : memref<10240x64xf32, #tpu.memory_space<vmem_shared>> -> memref<10240x64xf32, #tpu.memory_space<vmem_shared>>
        tpu.enqueue_indirect_dma source(%arg8 : memref<128x64xf32, #tpu.memory_space<vmem>>) target(%dma_start3A_69 : memref<10240x64xf32, #tpu.memory_space<vmem_shared>>) offsets(%dma_start3A_66 : memref<128xi32, #tpu.memory_space<vmem>>) semaphore(%run_scoped3A : memref<!tpu.dma_semaphore, #tpu.memory_space<semaphore_mem>>) {add = true}
        %dma_wait3A_70 = arith.constant 0 : i32
        %dma_wait3A_71 = tpu.memref_slice %arg7[%mul3A_36, %dma_wait3A_70] : memref<40x128xi32, #tpu.memory_space<vmem>> -> memref<1x128xi32, #tpu.memory_space<vmem>>
        %dma_wait3A_72 = tpu.memref_squeeze %dma_wait3A_71 : memref<1x128xi32, #tpu.memory_space<vmem>> -> memref<128xi32, #tpu.memory_space<vmem>>
        %dma_wait3A_73 = arith.constant 0 : i32
        %dma_wait3A_74 = arith.constant 0 : i32
        %dma_wait3A_75 = tpu.memref_slice %arg10[%dma_wait3A_73, %dma_wait3A_74] : memref<10240x64xf32, #tpu.memory_space<vmem_shared>> -> memref<10240x64xf32, #tpu.memory_space<vmem_shared>>
        tpu.wait_indirect_dma semaphore(%run_scoped3A : memref<!tpu.dma_semaphore, #tpu.memory_space<semaphore_mem>>) src(%arg8 : memref<128x64xf32, #tpu.memory_space<vmem>>) dst(%dma_wait3A_75 : memref<10240x64xf32, #tpu.memory_space<vmem_shared>>)
        tpu.yield
      }) : () -> ()
      %add3A_50 = arith.constant 2 : i32
      %add3A_51 = arith.addi %mul3A_36, %add3A_50 : i32
      %lt3A = arith.constant 40 : i32
      %lt3A_52 = arith.cmpi slt, %add3A_51, %lt3A : i32
      %convert_element_type3A = arith.extui %lt3A_52 : i1 to i32
      %cond3A = arith.constant 0 : i32
      %cond3A_53 = arith.cmpi ne, %convert_element_type3A, %cond3A : i32
      scf.if %cond3A_53 {
        %add3A_64 = arith.constant 2 : i32
        %add3A_65 = arith.addi %mul3A_36, %add3A_64 : i32
        %dma_start3A_66 = arith.constant 0 : i32
        %dma_start3A_67 = tpu.memref_slice %arg6[%add3A_65, %dma_start3A_66] : memref<40x128xi32, #tpu.memory_space<vmem>> -> memref<1x128xi32, #tpu.memory_space<vmem>>
        %dma_start3A_68 = tpu.memref_squeeze %dma_start3A_67 : memref<1x128xi32, #tpu.memory_space<vmem>> -> memref<128xi32, #tpu.memory_space<vmem>>
        %dma_start3A_69 = arith.constant 0 : i32
        %dma_start3A_70 = arith.constant 0 : i32
        %dma_start3A_71 = tpu.memref_slice %arg2[%dma_start3A_69, %dma_start3A_70] : memref<10240x64xf32, #tpu.memory_space<hbm>> -> memref<10240x64xf32, #tpu.memory_space<hbm>>
        tpu.enqueue_indirect_dma source(%dma_start3A_71 : memref<10240x64xf32, #tpu.memory_space<hbm>>) target(%arg8 : memref<128x64xf32, #tpu.memory_space<vmem>>) offsets(%dma_start3A_68 : memref<128xi32, #tpu.memory_space<vmem>>) semaphore(%arg11 : memref<!tpu.dma_semaphore, #tpu.memory_space<semaphore_mem>>)
      } else {
      }
      %add3A_54 = arith.constant 1 : i32
      %add3A_55 = arith.addi %mul3A_36, %add3A_54 : i32
      %dma_wait3A_56 = arith.constant 0 : i32
      %dma_wait3A_57 = tpu.memref_slice %arg6[%add3A_55, %dma_wait3A_56] : memref<40x128xi32, #tpu.memory_space<vmem>> -> memref<1x128xi32, #tpu.memory_space<vmem>>
      %dma_wait3A_58 = tpu.memref_squeeze %dma_wait3A_57 : memref<1x128xi32, #tpu.memory_space<vmem>> -> memref<128xi32, #tpu.memory_space<vmem>>
      %dma_wait3A_59 = arith.constant 0 : i32
      %dma_wait3A_60 = arith.constant 0 : i32
      %dma_wait3A_61 = tpu.memref_slice %arg2[%dma_wait3A_59, %dma_wait3A_60] : memref<10240x64xf32, #tpu.memory_space<hbm>> -> memref<10240x64xf32, #tpu.memory_space<hbm>>
      tpu.wait_indirect_dma semaphore(%arg12 : memref<!tpu.dma_semaphore, #tpu.memory_space<semaphore_mem>>) src(%dma_wait3A_61 : memref<10240x64xf32, #tpu.memory_space<hbm>>) dst(%arg9 : memref<128x64xf32, #tpu.memory_space<vmem>>)
      %add3A_62 = arith.constant 1 : i32
      %add3A_63 = arith.addi %mul3A_36, %add3A_62 : i32
      "tpu.region"() ({
        %run_scoped3A = tpu.sem_alloc : memref<!tpu.dma_semaphore, #tpu.memory_space<semaphore_mem>>
        %dma_start3A_64 = arith.constant 0 : i32
        %dma_start3A_65 = tpu.memref_slice %arg7[%add3A_63, %dma_start3A_64] : memref<40x128xi32, #tpu.memory_space<vmem>> -> memref<1x128xi32, #tpu.memory_space<vmem>>
        %dma_start3A_66 = tpu.memref_squeeze %dma_start3A_65 : memref<1x128xi32, #tpu.memory_space<vmem>> -> memref<128xi32, #tpu.memory_space<vmem>>
        %dma_start3A_67 = arith.constant 0 : i32
        %dma_start3A_68 = arith.constant 0 : i32
        %dma_start3A_69 = tpu.memref_slice %arg10[%dma_start3A_67, %dma_start3A_68] : memref<10240x64xf32, #tpu.memory_space<vmem_shared>> -> memref<10240x64xf32, #tpu.memory_space<vmem_shared>>
        tpu.enqueue_indirect_dma source(%arg9 : memref<128x64xf32, #tpu.memory_space<vmem>>) target(%dma_start3A_69 : memref<10240x64xf32, #tpu.memory_space<vmem_shared>>) offsets(%dma_start3A_66 : memref<128xi32, #tpu.memory_space<vmem>>) semaphore(%run_scoped3A : memref<!tpu.dma_semaphore, #tpu.memory_space<semaphore_mem>>) {add = true}
        %dma_wait3A_70 = arith.constant 0 : i32
        %dma_wait3A_71 = tpu.memref_slice %arg7[%add3A_63, %dma_wait3A_70] : memref<40x128xi32, #tpu.memory_space<vmem>> -> memref<1x128xi32, #tpu.memory_space<vmem>>
        %dma_wait3A_72 = tpu.memref_squeeze %dma_wait3A_71 : memref<1x128xi32, #tpu.memory_space<vmem>> -> memref<128xi32, #tpu.memory_space<vmem>>
        %dma_wait3A_73 = arith.constant 0 : i32
        %dma_wait3A_74 = arith.constant 0 : i32
        %dma_wait3A_75 = tpu.memref_slice %arg10[%dma_wait3A_73, %dma_wait3A_74] : memref<10240x64xf32, #tpu.memory_space<vmem_shared>> -> memref<10240x64xf32, #tpu.memory_space<vmem_shared>>
        tpu.wait_indirect_dma semaphore(%run_scoped3A : memref<!tpu.dma_semaphore, #tpu.memory_space<semaphore_mem>>) src(%arg9 : memref<128x64xf32, #tpu.memory_space<vmem>>) dst(%dma_wait3A_75 : memref<10240x64xf32, #tpu.memory_space<vmem_shared>>)
        tpu.yield
      }) : () -> ()
    }
    %scan3A_15 = arith.constant 20 : i32
    "tpu.region"() ({
      %run_scoped3A = tpu.sem_alloc : memref<!tpu.dma_semaphore, #tpu.memory_space<semaphore_mem>>
      %dma_start3A_34 = arith.constant 40 : i32
      %dma_start3A_35 = arith.constant 0 : i32
      %dma_start3A_36 = tpu.memref_slice %arg3[%add3A, %dma_start3A_34, %dma_start3A_35] : memref<32x80x128xi32, #tpu.memory_space<hbm>> -> memref<1x40x128xi32, #tpu.memory_space<hbm>>
      %dma_start3A_37 = tpu.memref_squeeze %dma_start3A_36 : memref<1x40x128xi32, #tpu.memory_space<hbm>> -> memref<40x128xi32, #tpu.memory_space<hbm>>
      %dma_start3A_38 = arith.constant 40 : i32
      %dma_start3A_39 = arith.constant 0 : i32
      %dma_start3A_40 = tpu.memref_slice %arg3[%add3A, %dma_start3A_38, %dma_start3A_39] : memref<32x80x128xi32, #tpu.memory_space<hbm>> -> memref<1x40x128xi32, #tpu.memory_space<hbm>>
      %dma_start3A_41 = tpu.memref_squeeze %dma_start3A_40 : memref<1x40x128xi32, #tpu.memory_space<hbm>> -> memref<40x128xi32, #tpu.memory_space<hbm>>
      tpu.enqueue_dma source(%dma_start3A_41 : memref<40x128xi32, #tpu.memory_space<hbm>>) target(%arg6 : memref<40x128xi32, #tpu.memory_space<vmem>>) target_semaphore(%run_scoped3A : memref<!tpu.dma_semaphore, #tpu.memory_space<semaphore_mem>>)
      %dma_wait3A = arith.constant 40 : i32
      %dma_wait3A_42 = arith.constant 0 : i32
      %dma_wait3A_43 = tpu.memref_slice %arg3[%add3A, %dma_wait3A, %dma_wait3A_42] : memref<32x80x128xi32, #tpu.memory_space<hbm>> -> memref<1x40x128xi32, #tpu.memory_space<hbm>>
      %dma_wait3A_44 = tpu.memref_squeeze %dma_wait3A_43 : memref<1x40x128xi32, #tpu.memory_space<hbm>> -> memref<40x128xi32, #tpu.memory_space<hbm>>
      %dma_wait3A_45 = arith.constant 40 : i32
      %dma_wait3A_46 = arith.constant 0 : i32
      %dma_wait3A_47 = tpu.memref_slice %arg3[%add3A, %dma_wait3A_45, %dma_wait3A_46] : memref<32x80x128xi32, #tpu.memory_space<hbm>> -> memref<1x40x128xi32, #tpu.memory_space<hbm>>
      %dma_wait3A_48 = tpu.memref_squeeze %dma_wait3A_47 : memref<1x40x128xi32, #tpu.memory_space<hbm>> -> memref<40x128xi32, #tpu.memory_space<hbm>>
      tpu.wait_dma2 semaphore(%run_scoped3A : memref<!tpu.dma_semaphore, #tpu.memory_space<semaphore_mem>>) src(%dma_wait3A_48 : memref<40x128xi32, #tpu.memory_space<hbm>>) dst(%arg6 : memref<40x128xi32, #tpu.memory_space<vmem>>)
      tpu.yield
    }) : () -> ()
    "tpu.region"() ({
      %run_scoped3A = tpu.sem_alloc : memref<!tpu.dma_semaphore, #tpu.memory_space<semaphore_mem>>
      %dma_start3A_34 = arith.constant 40 : i32
      %dma_start3A_35 = arith.constant 0 : i32
      %dma_start3A_36 = tpu.memref_slice %arg4[%add3A, %dma_start3A_34, %dma_start3A_35] : memref<32x80x128xi32, #tpu.memory_space<hbm>> -> memref<1x40x128xi32, #tpu.memory_space<hbm>>
      %dma_start3A_37 = tpu.memref_squeeze %dma_start3A_36 : memref<1x40x128xi32, #tpu.memory_space<hbm>> -> memref<40x128xi32, #tpu.memory_space<hbm>>
      %dma_start3A_38 = arith.constant 40 : i32
      %dma_start3A_39 = arith.constant 0 : i32
      %dma_start3A_40 = tpu.memref_slice %arg4[%add3A, %dma_start3A_38, %dma_start3A_39] : memref<32x80x128xi32, #tpu.memory_space<hbm>> -> memref<1x40x128xi32, #tpu.memory_space<hbm>>
      %dma_start3A_41 = tpu.memref_squeeze %dma_start3A_40 : memref<1x40x128xi32, #tpu.memory_space<hbm>> -> memref<40x128xi32, #tpu.memory_space<hbm>>
      tpu.enqueue_dma source(%dma_start3A_41 : memref<40x128xi32, #tpu.memory_space<hbm>>) target(%arg7 : memref<40x128xi32, #tpu.memory_space<vmem>>) target_semaphore(%run_scoped3A : memref<!tpu.dma_semaphore, #tpu.memory_space<semaphore_mem>>)
      %dma_wait3A = arith.constant 40 : i32
      %dma_wait3A_42 = arith.constant 0 : i32
      %dma_wait3A_43 = tpu.memref_slice %arg4[%add3A, %dma_wait3A, %dma_wait3A_42] : memref<32x80x128xi32, #tpu.memory_space<hbm>> -> memref<1x40x128xi32, #tpu.memory_space<hbm>>
      %dma_wait3A_44 = tpu.memref_squeeze %dma_wait3A_43 : memref<1x40x128xi32, #tpu.memory_space<hbm>> -> memref<40x128xi32, #tpu.memory_space<hbm>>
      %dma_wait3A_45 = arith.constant 40 : i32
      %dma_wait3A_46 = arith.constant 0 : i32
      %dma_wait3A_47 = tpu.memref_slice %arg4[%add3A, %dma_wait3A_45, %dma_wait3A_46] : memref<32x80x128xi32, #tpu.memory_space<hbm>> -> memref<1x40x128xi32, #tpu.memory_space<hbm>>
      %dma_wait3A_48 = tpu.memref_squeeze %dma_wait3A_47 : memref<1x40x128xi32, #tpu.memory_space<hbm>> -> memref<40x128xi32, #tpu.memory_space<hbm>>
      tpu.wait_dma2 semaphore(%run_scoped3A : memref<!tpu.dma_semaphore, #tpu.memory_space<semaphore_mem>>) src(%dma_wait3A_48 : memref<40x128xi32, #tpu.memory_space<hbm>>) dst(%arg7 : memref<40x128xi32, #tpu.memory_space<vmem>>)
      tpu.yield
    }) : () -> ()
    %dma_start3A_16 = arith.constant 0 : i32
    %dma_start3A_17 = arith.constant 0 : i32
    %dma_start3A_18 = tpu.memref_slice %arg6[%dma_start3A_16, %dma_start3A_17] : memref<40x128xi32, #tpu.memory_space<vmem>> -> memref<1x128xi32, #tpu.memory_space<vmem>>
    %dma_start3A_19 = tpu.memref_squeeze %dma_start3A_18 : memref<1x128xi32, #tpu.memory_space<vmem>> -> memref<128xi32, #tpu.memory_space<vmem>>
    %dma_start3A_20 = arith.constant 0 : i32
    %dma_start3A_21 = arith.constant 0 : i32
    %dma_start3A_22 = tpu.memref_slice %arg2[%dma_start3A_20, %dma_start3A_21] : memref<10240x64xf32, #tpu.memory_space<hbm>> -> memref<10240x64xf32, #tpu.memory_space<hbm>>
    tpu.enqueue_indirect_dma source(%dma_start3A_22 : memref<10240x64xf32, #tpu.memory_space<hbm>>) target(%arg8 : memref<128x64xf32, #tpu.memory_space<vmem>>) offsets(%dma_start3A_19 : memref<128xi32, #tpu.memory_space<vmem>>) semaphore(%arg11 : memref<!tpu.dma_semaphore, #tpu.memory_space<semaphore_mem>>)
    %scan3A_23 = arith.constant 0 : i32
    %scan3A_24 = arith.constant 0 : i32
    %scan3A_25 = arith.constant 20 : i32
    %scan3A_26 = arith.addi %scan3A_24, %scan3A_25 : i32
    %scan3A_27 = arith.constant 1 : i32
    scf.for %scan3A_34 = %scan3A_24 to %scan3A_26 step %scan3A_27  : i32 {
      %mul3A_35 = arith.constant 2 : i32
      %mul3A_36 = arith.muli %mul3A_35, %scan3A_34 : i32
      %add3A_37 = arith.constant 1 : i32
      %add3A_38 = arith.addi %mul3A_36, %add3A_37 : i32
      %dma_start3A_39 = arith.constant 0 : i32
      %dma_start3A_40 = tpu.memref_slice %arg6[%add3A_38, %dma_start3A_39] : memref<40x128xi32, #tpu.memory_space<vmem>> -> memref<1x128xi32, #tpu.memory_space<vmem>>
      %dma_start3A_41 = tpu.memref_squeeze %dma_start3A_40 : memref<1x128xi32, #tpu.memory_space<vmem>> -> memref<128xi32, #tpu.memory_space<vmem>>
      %dma_start3A_42 = arith.constant 0 : i32
      %dma_start3A_43 = arith.constant 0 : i32
      %dma_start3A_44 = tpu.memref_slice %arg2[%dma_start3A_42, %dma_start3A_43] : memref<10240x64xf32, #tpu.memory_space<hbm>> -> memref<10240x64xf32, #tpu.memory_space<hbm>>
      tpu.enqueue_indirect_dma source(%dma_start3A_44 : memref<10240x64xf32, #tpu.memory_space<hbm>>) target(%arg9 : memref<128x64xf32, #tpu.memory_space<vmem>>) offsets(%dma_start3A_41 : memref<128xi32, #tpu.memory_space<vmem>>) semaphore(%arg12 : memref<!tpu.dma_semaphore, #tpu.memory_space<semaphore_mem>>)
      %dma_wait3A = arith.constant 0 : i32
      %dma_wait3A_45 = tpu.memref_slice %arg6[%mul3A_36, %dma_wait3A] : memref<40x128xi32, #tpu.memory_space<vmem>> -> memref<1x128xi32, #tpu.memory_space<vmem>>
      %dma_wait3A_46 = tpu.memref_squeeze %dma_wait3A_45 : memref<1x128xi32, #tpu.memory_space<vmem>> -> memref<128xi32, #tpu.memory_space<vmem>>
      %dma_wait3A_47 = arith.constant 0 : i32
      %dma_wait3A_48 = arith.constant 0 : i32
      %dma_wait3A_49 = tpu.memref_slice %arg2[%dma_wait3A_47, %dma_wait3A_48] : memref<10240x64xf32, #tpu.memory_space<hbm>> -> memref<10240x64xf32, #tpu.memory_space<hbm>>
      tpu.wait_indirect_dma semaphore(%arg11 : memref<!tpu.dma_semaphore, #tpu.memory_space<semaphore_mem>>) src(%dma_wait3A_49 : memref<10240x64xf32, #tpu.memory_space<hbm>>) dst(%arg8 : memref<128x64xf32, #tpu.memory_space<vmem>>)
      "tpu.region"() ({
        %run_scoped3A = tpu.sem_alloc : memref<!tpu.dma_semaphore, #tpu.memory_space<semaphore_mem>>
        %dma_start3A_64 = arith.constant 0 : i32
        %dma_start3A_65 = tpu.memref_slice %arg7[%mul3A_36, %dma_start3A_64] : memref<40x128xi32, #tpu.memory_space<vmem>> -> memref<1x128xi32, #tpu.memory_space<vmem>>
        %dma_start3A_66 = tpu.memref_squeeze %dma_start3A_65 : memref<1x128xi32, #tpu.memory_space<vmem>> -> memref<128xi32, #tpu.memory_space<vmem>>
        %dma_start3A_67 = arith.constant 0 : i32
        %dma_start3A_68 = arith.constant 0 : i32
        %dma_start3A_69 = tpu.memref_slice %arg10[%dma_start3A_67, %dma_start3A_68] : memref<10240x64xf32, #tpu.memory_space<vmem_shared>> -> memref<10240x64xf32, #tpu.memory_space<vmem_shared>>
        tpu.enqueue_indirect_dma source(%arg8 : memref<128x64xf32, #tpu.memory_space<vmem>>) target(%dma_start3A_69 : memref<10240x64xf32, #tpu.memory_space<vmem_shared>>) offsets(%dma_start3A_66 : memref<128xi32, #tpu.memory_space<vmem>>) semaphore(%run_scoped3A : memref<!tpu.dma_semaphore, #tpu.memory_space<semaphore_mem>>) {add = true}
        %dma_wait3A_70 = arith.constant 0 : i32
        %dma_wait3A_71 = tpu.memref_slice %arg7[%mul3A_36, %dma_wait3A_70] : memref<40x128xi32, #tpu.memory_space<vmem>> -> memref<1x128xi32, #tpu.memory_space<vmem>>
        %dma_wait3A_72 = tpu.memref_squeeze %dma_wait3A_71 : memref<1x128xi32, #tpu.memory_space<vmem>> -> memref<128xi32, #tpu.memory_space<vmem>>
        %dma_wait3A_73 = arith.constant 0 : i32
        %dma_wait3A_74 = arith.constant 0 : i32
        %dma_wait3A_75 = tpu.memref_slice %arg10[%dma_wait3A_73, %dma_wait3A_74] : memref<10240x64xf32, #tpu.memory_space<vmem_shared>> -> memref<10240x64xf32, #tpu.memory_space<vmem_shared>>
        tpu.wait_indirect_dma semaphore(%run_scoped3A : memref<!tpu.dma_semaphore, #tpu.memory_space<semaphore_mem>>) src(%arg8 : memref<128x64xf32, #tpu.memory_space<vmem>>) dst(%dma_wait3A_75 : memref<10240x64xf32, #tpu.memory_space<vmem_shared>>)
        tpu.yield
      }) : () -> ()
      %add3A_50 = arith.constant 2 : i32
      %add3A_51 = arith.addi %mul3A_36, %add3A_50 : i32
      %lt3A = arith.constant 40 : i32
      %lt3A_52 = arith.cmpi slt, %add3A_51, %lt3A : i32
      %convert_element_type3A = arith.extui %lt3A_52 : i1 to i32
      %cond3A = arith.constant 0 : i32
      %cond3A_53 = arith.cmpi ne, %convert_element_type3A, %cond3A : i32
      scf.if %cond3A_53 {
        %add3A_64 = arith.constant 2 : i32
        %add3A_65 = arith.addi %mul3A_36, %add3A_64 : i32
        %dma_start3A_66 = arith.constant 0 : i32
        %dma_start3A_67 = tpu.memref_slice %arg6[%add3A_65, %dma_start3A_66] : memref<40x128xi32, #tpu.memory_space<vmem>> -> memref<1x128xi32, #tpu.memory_space<vmem>>
        %dma_start3A_68 = tpu.memref_squeeze %dma_start3A_67 : memref<1x128xi32, #tpu.memory_space<vmem>> -> memref<128xi32, #tpu.memory_space<vmem>>
        %dma_start3A_69 = arith.constant 0 : i32
        %dma_start3A_70 = arith.constant 0 : i32
        %dma_start3A_71 = tpu.memref_slice %arg2[%dma_start3A_69, %dma_start3A_70] : memref<10240x64xf32, #tpu.memory_space<hbm>> -> memref<10240x64xf32, #tpu.memory_space<hbm>>
        tpu.enqueue_indirect_dma source(%dma_start3A_71 : memref<10240x64xf32, #tpu.memory_space<hbm>>) target(%arg8 : memref<128x64xf32, #tpu.memory_space<vmem>>) offsets(%dma_start3A_68 : memref<128xi32, #tpu.memory_space<vmem>>) semaphore(%arg11 : memref<!tpu.dma_semaphore, #tpu.memory_space<semaphore_mem>>)
      } else {
      }
      %add3A_54 = arith.constant 1 : i32
      %add3A_55 = arith.addi %mul3A_36, %add3A_54 : i32
      %dma_wait3A_56 = arith.constant 0 : i32
      %dma_wait3A_57 = tpu.memref_slice %arg6[%add3A_55, %dma_wait3A_56] : memref<40x128xi32, #tpu.memory_space<vmem>> -> memref<1x128xi32, #tpu.memory_space<vmem>>
      %dma_wait3A_58 = tpu.memref_squeeze %dma_wait3A_57 : memref<1x128xi32, #tpu.memory_space<vmem>> -> memref<128xi32, #tpu.memory_space<vmem>>
      %dma_wait3A_59 = arith.constant 0 : i32
      %dma_wait3A_60 = arith.constant 0 : i32
      %dma_wait3A_61 = tpu.memref_slice %arg2[%dma_wait3A_59, %dma_wait3A_60] : memref<10240x64xf32, #tpu.memory_space<hbm>> -> memref<10240x64xf32, #tpu.memory_space<hbm>>
      tpu.wait_indirect_dma semaphore(%arg12 : memref<!tpu.dma_semaphore, #tpu.memory_space<semaphore_mem>>) src(%dma_wait3A_61 : memref<10240x64xf32, #tpu.memory_space<hbm>>) dst(%arg9 : memref<128x64xf32, #tpu.memory_space<vmem>>)
      %add3A_62 = arith.constant 1 : i32
      %add3A_63 = arith.addi %mul3A_36, %add3A_62 : i32
      "tpu.region"() ({
        %run_scoped3A = tpu.sem_alloc : memref<!tpu.dma_semaphore, #tpu.memory_space<semaphore_mem>>
        %dma_start3A_64 = arith.constant 0 : i32
        %dma_start3A_65 = tpu.memref_slice %arg7[%add3A_63, %dma_start3A_64] : memref<40x128xi32, #tpu.memory_space<vmem>> -> memref<1x128xi32, #tpu.memory_space<vmem>>
        %dma_start3A_66 = tpu.memref_squeeze %dma_start3A_65 : memref<1x128xi32, #tpu.memory_space<vmem>> -> memref<128xi32, #tpu.memory_space<vmem>>
        %dma_start3A_67 = arith.constant 0 : i32
        %dma_start3A_68 = arith.constant 0 : i32
        %dma_start3A_69 = tpu.memref_slice %arg10[%dma_start3A_67, %dma_start3A_68] : memref<10240x64xf32, #tpu.memory_space<vmem_shared>> -> memref<10240x64xf32, #tpu.memory_space<vmem_shared>>
        tpu.enqueue_indirect_dma source(%arg9 : memref<128x64xf32, #tpu.memory_space<vmem>>) target(%dma_start3A_69 : memref<10240x64xf32, #tpu.memory_space<vmem_shared>>) offsets(%dma_start3A_66 : memref<128xi32, #tpu.memory_space<vmem>>) semaphore(%run_scoped3A : memref<!tpu.dma_semaphore, #tpu.memory_space<semaphore_mem>>) {add = true}
        %dma_wait3A_70 = arith.constant 0 : i32
        %dma_wait3A_71 = tpu.memref_slice %arg7[%add3A_63, %dma_wait3A_70] : memref<40x128xi32, #tpu.memory_space<vmem>> -> memref<1x128xi32, #tpu.memory_space<vmem>>
        %dma_wait3A_72 = tpu.memref_squeeze %dma_wait3A_71 : memref<1x128xi32, #tpu.memory_space<vmem>> -> memref<128xi32, #tpu.memory_space<vmem>>
        %dma_wait3A_73 = arith.constant 0 : i32
        %dma_wait3A_74 = arith.constant 0 : i32
        %dma_wait3A_75 = tpu.memref_slice %arg10[%dma_wait3A_73, %dma_wait3A_74] : memref<10240x64xf32, #tpu.memory_space<vmem_shared>> -> memref<10240x64xf32, #tpu.memory_space<vmem_shared>>
        tpu.wait_indirect_dma semaphore(%run_scoped3A : memref<!tpu.dma_semaphore, #tpu.memory_space<semaphore_mem>>) src(%arg9 : memref<128x64xf32, #tpu.memory_space<vmem>>) dst(%dma_wait3A_75 : memref<10240x64xf32, #tpu.memory_space<vmem_shared>>)
        tpu.yield
      }) : () -> ()
    }
    %scan3A_28 = arith.constant 20 : i32
    %barrier3A_29 = arith.constant 0 : index
    tpu.barrier barrier_id(%barrier3A_29)
    %mul3A_30 = arith.constant 640 : i32
    %mul3A_31 = arith.muli %arg1, %mul3A_30 : i32
    %mul3A_32 = arith.constant 640 : i32
    %mul3A_33 = arith.muli %arg1, %mul3A_32 : i32
    "tpu.region"() ({
      %run_scoped3A = tpu.sem_alloc : memref<!tpu.dma_semaphore, #tpu.memory_space<semaphore_mem>>
      %dma_start3A_34 = arith.constant 0 : i32
      %dma_start3A_35 = tpu.memref_slice %arg5[%arg0, %mul3A_33, %dma_start3A_34] : memref<2x10240x64xf32, #tpu.memory_space<hbm>> -> memref<1x640x64xf32, #tpu.memory_space<hbm>>
      %dma_start3A_36 = tpu.memref_squeeze %dma_start3A_35 : memref<1x640x64xf32, #tpu.memory_space<hbm>> -> memref<640x64xf32, #tpu.memory_space<hbm>>
      %dma_start3A_37 = arith.constant 0 : i32
      %dma_start3A_38 = tpu.memref_slice %arg10[%mul3A_31, %dma_start3A_37] : memref<10240x64xf32, #tpu.memory_space<vmem_shared>> -> memref<640x64xf32, #tpu.memory_space<vmem_shared>>
      tpu.enqueue_dma source(%dma_start3A_38 : memref<640x64xf32, #tpu.memory_space<vmem_shared>>) target(%dma_start3A_36 : memref<640x64xf32, #tpu.memory_space<hbm>>) target_semaphore(%run_scoped3A : memref<!tpu.dma_semaphore, #tpu.memory_space<semaphore_mem>>)
      %dma_wait3A = arith.constant 0 : i32
      %dma_wait3A_39 = tpu.memref_slice %arg5[%arg0, %mul3A_33, %dma_wait3A] : memref<2x10240x64xf32, #tpu.memory_space<hbm>> -> memref<1x640x64xf32, #tpu.memory_space<hbm>>
      %dma_wait3A_40 = tpu.memref_squeeze %dma_wait3A_39 : memref<1x640x64xf32, #tpu.memory_space<hbm>> -> memref<640x64xf32, #tpu.memory_space<hbm>>
      %dma_wait3A_41 = arith.constant 0 : i32
      %dma_wait3A_42 = tpu.memref_slice %arg10[%mul3A_31, %dma_wait3A_41] : memref<10240x64xf32, #tpu.memory_space<vmem_shared>> -> memref<640x64xf32, #tpu.memory_space<vmem_shared>>
      tpu.wait_dma2 semaphore(%run_scoped3A : memref<!tpu.dma_semaphore, #tpu.memory_space<semaphore_mem>>) src(%dma_wait3A_42 : memref<640x64xf32, #tpu.memory_space<vmem_shared>>) dst(%dma_wait3A_40 : memref<640x64xf32, #tpu.memory_space<hbm>>)
      tpu.yield
    }) : () -> ()
    return
  }
}

#map = affine_map<(d0, d1) -> (0, 0)>
#map1 = affine_map<(d0, d1) -> (0, 0, 0)>
module attributes {stable_mosaic.version = 14 : i64} {
  func.func @_agg(%arg0: i32, %arg1: i32, %arg2: memref<10240x128xf32, #tpu.memory_space<hbm>>, %arg3: memref<32x80x128xi32, #tpu.memory_space<hbm>>, %arg4: memref<32x80x128xi32, #tpu.memory_space<hbm>>, %arg5: memref<2x10240x128xf32, #tpu.memory_space<hbm>>, %arg6: memref<40x128xi32, #tpu.memory_space<vmem>>, %arg7: memref<40x128xi32, #tpu.memory_space<vmem>>, %arg8: memref<128x128xf32, #tpu.memory_space<vmem>>, %arg9: memref<128x128xf32, #tpu.memory_space<vmem>>, %arg10: memref<10240x128xf32, #tpu.memory_space<vmem_shared>>, %arg11: memref<!tpu.dma_semaphore, #tpu.memory_space<semaphore_mem>>, %arg12: memref<!tpu.dma_semaphore, #tpu.memory_space<semaphore_mem>>) attributes {dimension_semantics = [#tpu.dimension_semantics<core_parallel>, #tpu.dimension_semantics<subcore_parallel>], iteration_bounds = array<i64: 2, 16>, scalar_prefetch = 0 : i64, scratch_operands = 7 : i64, tpu.core_type = #tpu.core_type<sc_vector_subcore>, window_params = [{transform_indices = #map}, {transform_indices = #map1}, {transform_indices = #map1}, {transform_indices = #map1}]} {
    %mul3A = arith.constant 16 : i32
    %mul3A_0 = arith.muli %arg0, %mul3A : i32
    %add3A = arith.addi %mul3A_0, %arg1 : i32
    %mul3A_1 = arith.constant 640 : i32
    %mul3A_2 = arith.muli %arg1, %mul3A_1 : i32
    %mul3A_3 = arith.constant 640 : i32
    %mul3A_4 = arith.muli %arg1, %mul3A_3 : i32
    "tpu.region"() ({
      %run_scoped3A = tpu.sem_alloc : memref<!tpu.dma_semaphore, #tpu.memory_space<semaphore_mem>>
      %dma_start3A_34 = arith.constant 0 : i32
      %dma_start3A_35 = tpu.memref_slice %arg10[%mul3A_4, %dma_start3A_34] : memref<10240x128xf32, #tpu.memory_space<vmem_shared>> -> memref<640x128xf32, #tpu.memory_space<vmem_shared>>
      %dma_start3A_36 = arith.constant 0 : i32
      %dma_start3A_37 = tpu.memref_slice %arg2[%mul3A_2, %dma_start3A_36] : memref<10240x128xf32, #tpu.memory_space<hbm>> -> memref<640x128xf32, #tpu.memory_space<hbm>>
      tpu.enqueue_dma source(%dma_start3A_37 : memref<640x128xf32, #tpu.memory_space<hbm>>) target(%dma_start3A_35 : memref<640x128xf32, #tpu.memory_space<vmem_shared>>) target_semaphore(%run_scoped3A : memref<!tpu.dma_semaphore, #tpu.memory_space<semaphore_mem>>)
      %dma_wait3A = arith.constant 0 : i32
      %dma_wait3A_38 = tpu.memref_slice %arg10[%mul3A_4, %dma_wait3A] : memref<10240x128xf32, #tpu.memory_space<vmem_shared>> -> memref<640x128xf32, #tpu.memory_space<vmem_shared>>
      %dma_wait3A_39 = arith.constant 0 : i32
      %dma_wait3A_40 = tpu.memref_slice %arg2[%mul3A_2, %dma_wait3A_39] : memref<10240x128xf32, #tpu.memory_space<hbm>> -> memref<640x128xf32, #tpu.memory_space<hbm>>
      tpu.wait_dma2 semaphore(%run_scoped3A : memref<!tpu.dma_semaphore, #tpu.memory_space<semaphore_mem>>) src(%dma_wait3A_40 : memref<640x128xf32, #tpu.memory_space<hbm>>) dst(%dma_wait3A_38 : memref<640x128xf32, #tpu.memory_space<vmem_shared>>)
      tpu.yield
    }) : () -> ()
    %barrier3A = arith.constant 0 : index
    tpu.barrier barrier_id(%barrier3A)
    "tpu.region"() ({
      %run_scoped3A = tpu.sem_alloc : memref<!tpu.dma_semaphore, #tpu.memory_space<semaphore_mem>>
      %dma_start3A_34 = arith.constant 0 : i32
      %dma_start3A_35 = arith.constant 0 : i32
      %dma_start3A_36 = tpu.memref_slice %arg3[%add3A, %dma_start3A_34, %dma_start3A_35] : memref<32x80x128xi32, #tpu.memory_space<hbm>> -> memref<1x40x128xi32, #tpu.memory_space<hbm>>
      %dma_start3A_37 = tpu.memref_squeeze %dma_start3A_36 : memref<1x40x128xi32, #tpu.memory_space<hbm>> -> memref<40x128xi32, #tpu.memory_space<hbm>>
      %dma_start3A_38 = arith.constant 0 : i32
      %dma_start3A_39 = arith.constant 0 : i32
      %dma_start3A_40 = tpu.memref_slice %arg3[%add3A, %dma_start3A_38, %dma_start3A_39] : memref<32x80x128xi32, #tpu.memory_space<hbm>> -> memref<1x40x128xi32, #tpu.memory_space<hbm>>
      %dma_start3A_41 = tpu.memref_squeeze %dma_start3A_40 : memref<1x40x128xi32, #tpu.memory_space<hbm>> -> memref<40x128xi32, #tpu.memory_space<hbm>>
      tpu.enqueue_dma source(%dma_start3A_41 : memref<40x128xi32, #tpu.memory_space<hbm>>) target(%arg6 : memref<40x128xi32, #tpu.memory_space<vmem>>) target_semaphore(%run_scoped3A : memref<!tpu.dma_semaphore, #tpu.memory_space<semaphore_mem>>)
      %dma_wait3A = arith.constant 0 : i32
      %dma_wait3A_42 = arith.constant 0 : i32
      %dma_wait3A_43 = tpu.memref_slice %arg3[%add3A, %dma_wait3A, %dma_wait3A_42] : memref<32x80x128xi32, #tpu.memory_space<hbm>> -> memref<1x40x128xi32, #tpu.memory_space<hbm>>
      %dma_wait3A_44 = tpu.memref_squeeze %dma_wait3A_43 : memref<1x40x128xi32, #tpu.memory_space<hbm>> -> memref<40x128xi32, #tpu.memory_space<hbm>>
      %dma_wait3A_45 = arith.constant 0 : i32
      %dma_wait3A_46 = arith.constant 0 : i32
      %dma_wait3A_47 = tpu.memref_slice %arg3[%add3A, %dma_wait3A_45, %dma_wait3A_46] : memref<32x80x128xi32, #tpu.memory_space<hbm>> -> memref<1x40x128xi32, #tpu.memory_space<hbm>>
      %dma_wait3A_48 = tpu.memref_squeeze %dma_wait3A_47 : memref<1x40x128xi32, #tpu.memory_space<hbm>> -> memref<40x128xi32, #tpu.memory_space<hbm>>
      tpu.wait_dma2 semaphore(%run_scoped3A : memref<!tpu.dma_semaphore, #tpu.memory_space<semaphore_mem>>) src(%dma_wait3A_48 : memref<40x128xi32, #tpu.memory_space<hbm>>) dst(%arg6 : memref<40x128xi32, #tpu.memory_space<vmem>>)
      tpu.yield
    }) : () -> ()
    "tpu.region"() ({
      %run_scoped3A = tpu.sem_alloc : memref<!tpu.dma_semaphore, #tpu.memory_space<semaphore_mem>>
      %dma_start3A_34 = arith.constant 0 : i32
      %dma_start3A_35 = arith.constant 0 : i32
      %dma_start3A_36 = tpu.memref_slice %arg4[%add3A, %dma_start3A_34, %dma_start3A_35] : memref<32x80x128xi32, #tpu.memory_space<hbm>> -> memref<1x40x128xi32, #tpu.memory_space<hbm>>
      %dma_start3A_37 = tpu.memref_squeeze %dma_start3A_36 : memref<1x40x128xi32, #tpu.memory_space<hbm>> -> memref<40x128xi32, #tpu.memory_space<hbm>>
      %dma_start3A_38 = arith.constant 0 : i32
      %dma_start3A_39 = arith.constant 0 : i32
      %dma_start3A_40 = tpu.memref_slice %arg4[%add3A, %dma_start3A_38, %dma_start3A_39] : memref<32x80x128xi32, #tpu.memory_space<hbm>> -> memref<1x40x128xi32, #tpu.memory_space<hbm>>
      %dma_start3A_41 = tpu.memref_squeeze %dma_start3A_40 : memref<1x40x128xi32, #tpu.memory_space<hbm>> -> memref<40x128xi32, #tpu.memory_space<hbm>>
      tpu.enqueue_dma source(%dma_start3A_41 : memref<40x128xi32, #tpu.memory_space<hbm>>) target(%arg7 : memref<40x128xi32, #tpu.memory_space<vmem>>) target_semaphore(%run_scoped3A : memref<!tpu.dma_semaphore, #tpu.memory_space<semaphore_mem>>)
      %dma_wait3A = arith.constant 0 : i32
      %dma_wait3A_42 = arith.constant 0 : i32
      %dma_wait3A_43 = tpu.memref_slice %arg4[%add3A, %dma_wait3A, %dma_wait3A_42] : memref<32x80x128xi32, #tpu.memory_space<hbm>> -> memref<1x40x128xi32, #tpu.memory_space<hbm>>
      %dma_wait3A_44 = tpu.memref_squeeze %dma_wait3A_43 : memref<1x40x128xi32, #tpu.memory_space<hbm>> -> memref<40x128xi32, #tpu.memory_space<hbm>>
      %dma_wait3A_45 = arith.constant 0 : i32
      %dma_wait3A_46 = arith.constant 0 : i32
      %dma_wait3A_47 = tpu.memref_slice %arg4[%add3A, %dma_wait3A_45, %dma_wait3A_46] : memref<32x80x128xi32, #tpu.memory_space<hbm>> -> memref<1x40x128xi32, #tpu.memory_space<hbm>>
      %dma_wait3A_48 = tpu.memref_squeeze %dma_wait3A_47 : memref<1x40x128xi32, #tpu.memory_space<hbm>> -> memref<40x128xi32, #tpu.memory_space<hbm>>
      tpu.wait_dma2 semaphore(%run_scoped3A : memref<!tpu.dma_semaphore, #tpu.memory_space<semaphore_mem>>) src(%dma_wait3A_48 : memref<40x128xi32, #tpu.memory_space<hbm>>) dst(%arg7 : memref<40x128xi32, #tpu.memory_space<vmem>>)
      tpu.yield
    }) : () -> ()
    %dma_start3A = arith.constant 0 : i32
    %dma_start3A_5 = arith.constant 0 : i32
    %dma_start3A_6 = tpu.memref_slice %arg6[%dma_start3A, %dma_start3A_5] : memref<40x128xi32, #tpu.memory_space<vmem>> -> memref<1x128xi32, #tpu.memory_space<vmem>>
    %dma_start3A_7 = tpu.memref_squeeze %dma_start3A_6 : memref<1x128xi32, #tpu.memory_space<vmem>> -> memref<128xi32, #tpu.memory_space<vmem>>
    %dma_start3A_8 = arith.constant 0 : i32
    %dma_start3A_9 = arith.constant 0 : i32
    %dma_start3A_10 = tpu.memref_slice %arg2[%dma_start3A_8, %dma_start3A_9] : memref<10240x128xf32, #tpu.memory_space<hbm>> -> memref<10240x128xf32, #tpu.memory_space<hbm>>
    tpu.enqueue_indirect_dma source(%dma_start3A_10 : memref<10240x128xf32, #tpu.memory_space<hbm>>) target(%arg8 : memref<128x128xf32, #tpu.memory_space<vmem>>) offsets(%dma_start3A_7 : memref<128xi32, #tpu.memory_space<vmem>>) semaphore(%arg11 : memref<!tpu.dma_semaphore, #tpu.memory_space<semaphore_mem>>)
    %scan3A = arith.constant 0 : i32
    %scan3A_11 = arith.constant 0 : i32
    %scan3A_12 = arith.constant 20 : i32
    %scan3A_13 = arith.addi %scan3A_11, %scan3A_12 : i32
    %scan3A_14 = arith.constant 1 : i32
    scf.for %scan3A_34 = %scan3A_11 to %scan3A_13 step %scan3A_14  : i32 {
      %mul3A_35 = arith.constant 2 : i32
      %mul3A_36 = arith.muli %mul3A_35, %scan3A_34 : i32
      %add3A_37 = arith.constant 1 : i32
      %add3A_38 = arith.addi %mul3A_36, %add3A_37 : i32
      %dma_start3A_39 = arith.constant 0 : i32
      %dma_start3A_40 = tpu.memref_slice %arg6[%add3A_38, %dma_start3A_39] : memref<40x128xi32, #tpu.memory_space<vmem>> -> memref<1x128xi32, #tpu.memory_space<vmem>>
      %dma_start3A_41 = tpu.memref_squeeze %dma_start3A_40 : memref<1x128xi32, #tpu.memory_space<vmem>> -> memref<128xi32, #tpu.memory_space<vmem>>
      %dma_start3A_42 = arith.constant 0 : i32
      %dma_start3A_43 = arith.constant 0 : i32
      %dma_start3A_44 = tpu.memref_slice %arg2[%dma_start3A_42, %dma_start3A_43] : memref<10240x128xf32, #tpu.memory_space<hbm>> -> memref<10240x128xf32, #tpu.memory_space<hbm>>
      tpu.enqueue_indirect_dma source(%dma_start3A_44 : memref<10240x128xf32, #tpu.memory_space<hbm>>) target(%arg9 : memref<128x128xf32, #tpu.memory_space<vmem>>) offsets(%dma_start3A_41 : memref<128xi32, #tpu.memory_space<vmem>>) semaphore(%arg12 : memref<!tpu.dma_semaphore, #tpu.memory_space<semaphore_mem>>)
      %dma_wait3A = arith.constant 0 : i32
      %dma_wait3A_45 = tpu.memref_slice %arg6[%mul3A_36, %dma_wait3A] : memref<40x128xi32, #tpu.memory_space<vmem>> -> memref<1x128xi32, #tpu.memory_space<vmem>>
      %dma_wait3A_46 = tpu.memref_squeeze %dma_wait3A_45 : memref<1x128xi32, #tpu.memory_space<vmem>> -> memref<128xi32, #tpu.memory_space<vmem>>
      %dma_wait3A_47 = arith.constant 0 : i32
      %dma_wait3A_48 = arith.constant 0 : i32
      %dma_wait3A_49 = tpu.memref_slice %arg2[%dma_wait3A_47, %dma_wait3A_48] : memref<10240x128xf32, #tpu.memory_space<hbm>> -> memref<10240x128xf32, #tpu.memory_space<hbm>>
      tpu.wait_indirect_dma semaphore(%arg11 : memref<!tpu.dma_semaphore, #tpu.memory_space<semaphore_mem>>) src(%dma_wait3A_49 : memref<10240x128xf32, #tpu.memory_space<hbm>>) dst(%arg8 : memref<128x128xf32, #tpu.memory_space<vmem>>)
      "tpu.region"() ({
        %run_scoped3A = tpu.sem_alloc : memref<!tpu.dma_semaphore, #tpu.memory_space<semaphore_mem>>
        %dma_start3A_64 = arith.constant 0 : i32
        %dma_start3A_65 = tpu.memref_slice %arg7[%mul3A_36, %dma_start3A_64] : memref<40x128xi32, #tpu.memory_space<vmem>> -> memref<1x128xi32, #tpu.memory_space<vmem>>
        %dma_start3A_66 = tpu.memref_squeeze %dma_start3A_65 : memref<1x128xi32, #tpu.memory_space<vmem>> -> memref<128xi32, #tpu.memory_space<vmem>>
        %dma_start3A_67 = arith.constant 0 : i32
        %dma_start3A_68 = arith.constant 0 : i32
        %dma_start3A_69 = tpu.memref_slice %arg10[%dma_start3A_67, %dma_start3A_68] : memref<10240x128xf32, #tpu.memory_space<vmem_shared>> -> memref<10240x128xf32, #tpu.memory_space<vmem_shared>>
        tpu.enqueue_indirect_dma source(%arg8 : memref<128x128xf32, #tpu.memory_space<vmem>>) target(%dma_start3A_69 : memref<10240x128xf32, #tpu.memory_space<vmem_shared>>) offsets(%dma_start3A_66 : memref<128xi32, #tpu.memory_space<vmem>>) semaphore(%run_scoped3A : memref<!tpu.dma_semaphore, #tpu.memory_space<semaphore_mem>>) {add = true}
        %dma_wait3A_70 = arith.constant 0 : i32
        %dma_wait3A_71 = tpu.memref_slice %arg7[%mul3A_36, %dma_wait3A_70] : memref<40x128xi32, #tpu.memory_space<vmem>> -> memref<1x128xi32, #tpu.memory_space<vmem>>
        %dma_wait3A_72 = tpu.memref_squeeze %dma_wait3A_71 : memref<1x128xi32, #tpu.memory_space<vmem>> -> memref<128xi32, #tpu.memory_space<vmem>>
        %dma_wait3A_73 = arith.constant 0 : i32
        %dma_wait3A_74 = arith.constant 0 : i32
        %dma_wait3A_75 = tpu.memref_slice %arg10[%dma_wait3A_73, %dma_wait3A_74] : memref<10240x128xf32, #tpu.memory_space<vmem_shared>> -> memref<10240x128xf32, #tpu.memory_space<vmem_shared>>
        tpu.wait_indirect_dma semaphore(%run_scoped3A : memref<!tpu.dma_semaphore, #tpu.memory_space<semaphore_mem>>) src(%arg8 : memref<128x128xf32, #tpu.memory_space<vmem>>) dst(%dma_wait3A_75 : memref<10240x128xf32, #tpu.memory_space<vmem_shared>>)
        tpu.yield
      }) : () -> ()
      %add3A_50 = arith.constant 2 : i32
      %add3A_51 = arith.addi %mul3A_36, %add3A_50 : i32
      %lt3A = arith.constant 40 : i32
      %lt3A_52 = arith.cmpi slt, %add3A_51, %lt3A : i32
      %convert_element_type3A = arith.extui %lt3A_52 : i1 to i32
      %cond3A = arith.constant 0 : i32
      %cond3A_53 = arith.cmpi ne, %convert_element_type3A, %cond3A : i32
      scf.if %cond3A_53 {
        %add3A_64 = arith.constant 2 : i32
        %add3A_65 = arith.addi %mul3A_36, %add3A_64 : i32
        %dma_start3A_66 = arith.constant 0 : i32
        %dma_start3A_67 = tpu.memref_slice %arg6[%add3A_65, %dma_start3A_66] : memref<40x128xi32, #tpu.memory_space<vmem>> -> memref<1x128xi32, #tpu.memory_space<vmem>>
        %dma_start3A_68 = tpu.memref_squeeze %dma_start3A_67 : memref<1x128xi32, #tpu.memory_space<vmem>> -> memref<128xi32, #tpu.memory_space<vmem>>
        %dma_start3A_69 = arith.constant 0 : i32
        %dma_start3A_70 = arith.constant 0 : i32
        %dma_start3A_71 = tpu.memref_slice %arg2[%dma_start3A_69, %dma_start3A_70] : memref<10240x128xf32, #tpu.memory_space<hbm>> -> memref<10240x128xf32, #tpu.memory_space<hbm>>
        tpu.enqueue_indirect_dma source(%dma_start3A_71 : memref<10240x128xf32, #tpu.memory_space<hbm>>) target(%arg8 : memref<128x128xf32, #tpu.memory_space<vmem>>) offsets(%dma_start3A_68 : memref<128xi32, #tpu.memory_space<vmem>>) semaphore(%arg11 : memref<!tpu.dma_semaphore, #tpu.memory_space<semaphore_mem>>)
      } else {
      }
      %add3A_54 = arith.constant 1 : i32
      %add3A_55 = arith.addi %mul3A_36, %add3A_54 : i32
      %dma_wait3A_56 = arith.constant 0 : i32
      %dma_wait3A_57 = tpu.memref_slice %arg6[%add3A_55, %dma_wait3A_56] : memref<40x128xi32, #tpu.memory_space<vmem>> -> memref<1x128xi32, #tpu.memory_space<vmem>>
      %dma_wait3A_58 = tpu.memref_squeeze %dma_wait3A_57 : memref<1x128xi32, #tpu.memory_space<vmem>> -> memref<128xi32, #tpu.memory_space<vmem>>
      %dma_wait3A_59 = arith.constant 0 : i32
      %dma_wait3A_60 = arith.constant 0 : i32
      %dma_wait3A_61 = tpu.memref_slice %arg2[%dma_wait3A_59, %dma_wait3A_60] : memref<10240x128xf32, #tpu.memory_space<hbm>> -> memref<10240x128xf32, #tpu.memory_space<hbm>>
      tpu.wait_indirect_dma semaphore(%arg12 : memref<!tpu.dma_semaphore, #tpu.memory_space<semaphore_mem>>) src(%dma_wait3A_61 : memref<10240x128xf32, #tpu.memory_space<hbm>>) dst(%arg9 : memref<128x128xf32, #tpu.memory_space<vmem>>)
      %add3A_62 = arith.constant 1 : i32
      %add3A_63 = arith.addi %mul3A_36, %add3A_62 : i32
      "tpu.region"() ({
        %run_scoped3A = tpu.sem_alloc : memref<!tpu.dma_semaphore, #tpu.memory_space<semaphore_mem>>
        %dma_start3A_64 = arith.constant 0 : i32
        %dma_start3A_65 = tpu.memref_slice %arg7[%add3A_63, %dma_start3A_64] : memref<40x128xi32, #tpu.memory_space<vmem>> -> memref<1x128xi32, #tpu.memory_space<vmem>>
        %dma_start3A_66 = tpu.memref_squeeze %dma_start3A_65 : memref<1x128xi32, #tpu.memory_space<vmem>> -> memref<128xi32, #tpu.memory_space<vmem>>
        %dma_start3A_67 = arith.constant 0 : i32
        %dma_start3A_68 = arith.constant 0 : i32
        %dma_start3A_69 = tpu.memref_slice %arg10[%dma_start3A_67, %dma_start3A_68] : memref<10240x128xf32, #tpu.memory_space<vmem_shared>> -> memref<10240x128xf32, #tpu.memory_space<vmem_shared>>
        tpu.enqueue_indirect_dma source(%arg9 : memref<128x128xf32, #tpu.memory_space<vmem>>) target(%dma_start3A_69 : memref<10240x128xf32, #tpu.memory_space<vmem_shared>>) offsets(%dma_start3A_66 : memref<128xi32, #tpu.memory_space<vmem>>) semaphore(%run_scoped3A : memref<!tpu.dma_semaphore, #tpu.memory_space<semaphore_mem>>) {add = true}
        %dma_wait3A_70 = arith.constant 0 : i32
        %dma_wait3A_71 = tpu.memref_slice %arg7[%add3A_63, %dma_wait3A_70] : memref<40x128xi32, #tpu.memory_space<vmem>> -> memref<1x128xi32, #tpu.memory_space<vmem>>
        %dma_wait3A_72 = tpu.memref_squeeze %dma_wait3A_71 : memref<1x128xi32, #tpu.memory_space<vmem>> -> memref<128xi32, #tpu.memory_space<vmem>>
        %dma_wait3A_73 = arith.constant 0 : i32
        %dma_wait3A_74 = arith.constant 0 : i32
        %dma_wait3A_75 = tpu.memref_slice %arg10[%dma_wait3A_73, %dma_wait3A_74] : memref<10240x128xf32, #tpu.memory_space<vmem_shared>> -> memref<10240x128xf32, #tpu.memory_space<vmem_shared>>
        tpu.wait_indirect_dma semaphore(%run_scoped3A : memref<!tpu.dma_semaphore, #tpu.memory_space<semaphore_mem>>) src(%arg9 : memref<128x128xf32, #tpu.memory_space<vmem>>) dst(%dma_wait3A_75 : memref<10240x128xf32, #tpu.memory_space<vmem_shared>>)
        tpu.yield
      }) : () -> ()
    }
    %scan3A_15 = arith.constant 20 : i32
    "tpu.region"() ({
      %run_scoped3A = tpu.sem_alloc : memref<!tpu.dma_semaphore, #tpu.memory_space<semaphore_mem>>
      %dma_start3A_34 = arith.constant 40 : i32
      %dma_start3A_35 = arith.constant 0 : i32
      %dma_start3A_36 = tpu.memref_slice %arg3[%add3A, %dma_start3A_34, %dma_start3A_35] : memref<32x80x128xi32, #tpu.memory_space<hbm>> -> memref<1x40x128xi32, #tpu.memory_space<hbm>>
      %dma_start3A_37 = tpu.memref_squeeze %dma_start3A_36 : memref<1x40x128xi32, #tpu.memory_space<hbm>> -> memref<40x128xi32, #tpu.memory_space<hbm>>
      %dma_start3A_38 = arith.constant 40 : i32
      %dma_start3A_39 = arith.constant 0 : i32
      %dma_start3A_40 = tpu.memref_slice %arg3[%add3A, %dma_start3A_38, %dma_start3A_39] : memref<32x80x128xi32, #tpu.memory_space<hbm>> -> memref<1x40x128xi32, #tpu.memory_space<hbm>>
      %dma_start3A_41 = tpu.memref_squeeze %dma_start3A_40 : memref<1x40x128xi32, #tpu.memory_space<hbm>> -> memref<40x128xi32, #tpu.memory_space<hbm>>
      tpu.enqueue_dma source(%dma_start3A_41 : memref<40x128xi32, #tpu.memory_space<hbm>>) target(%arg6 : memref<40x128xi32, #tpu.memory_space<vmem>>) target_semaphore(%run_scoped3A : memref<!tpu.dma_semaphore, #tpu.memory_space<semaphore_mem>>)
      %dma_wait3A = arith.constant 40 : i32
      %dma_wait3A_42 = arith.constant 0 : i32
      %dma_wait3A_43 = tpu.memref_slice %arg3[%add3A, %dma_wait3A, %dma_wait3A_42] : memref<32x80x128xi32, #tpu.memory_space<hbm>> -> memref<1x40x128xi32, #tpu.memory_space<hbm>>
      %dma_wait3A_44 = tpu.memref_squeeze %dma_wait3A_43 : memref<1x40x128xi32, #tpu.memory_space<hbm>> -> memref<40x128xi32, #tpu.memory_space<hbm>>
      %dma_wait3A_45 = arith.constant 40 : i32
      %dma_wait3A_46 = arith.constant 0 : i32
      %dma_wait3A_47 = tpu.memref_slice %arg3[%add3A, %dma_wait3A_45, %dma_wait3A_46] : memref<32x80x128xi32, #tpu.memory_space<hbm>> -> memref<1x40x128xi32, #tpu.memory_space<hbm>>
      %dma_wait3A_48 = tpu.memref_squeeze %dma_wait3A_47 : memref<1x40x128xi32, #tpu.memory_space<hbm>> -> memref<40x128xi32, #tpu.memory_space<hbm>>
      tpu.wait_dma2 semaphore(%run_scoped3A : memref<!tpu.dma_semaphore, #tpu.memory_space<semaphore_mem>>) src(%dma_wait3A_48 : memref<40x128xi32, #tpu.memory_space<hbm>>) dst(%arg6 : memref<40x128xi32, #tpu.memory_space<vmem>>)
      tpu.yield
    }) : () -> ()
    "tpu.region"() ({
      %run_scoped3A = tpu.sem_alloc : memref<!tpu.dma_semaphore, #tpu.memory_space<semaphore_mem>>
      %dma_start3A_34 = arith.constant 40 : i32
      %dma_start3A_35 = arith.constant 0 : i32
      %dma_start3A_36 = tpu.memref_slice %arg4[%add3A, %dma_start3A_34, %dma_start3A_35] : memref<32x80x128xi32, #tpu.memory_space<hbm>> -> memref<1x40x128xi32, #tpu.memory_space<hbm>>
      %dma_start3A_37 = tpu.memref_squeeze %dma_start3A_36 : memref<1x40x128xi32, #tpu.memory_space<hbm>> -> memref<40x128xi32, #tpu.memory_space<hbm>>
      %dma_start3A_38 = arith.constant 40 : i32
      %dma_start3A_39 = arith.constant 0 : i32
      %dma_start3A_40 = tpu.memref_slice %arg4[%add3A, %dma_start3A_38, %dma_start3A_39] : memref<32x80x128xi32, #tpu.memory_space<hbm>> -> memref<1x40x128xi32, #tpu.memory_space<hbm>>
      %dma_start3A_41 = tpu.memref_squeeze %dma_start3A_40 : memref<1x40x128xi32, #tpu.memory_space<hbm>> -> memref<40x128xi32, #tpu.memory_space<hbm>>
      tpu.enqueue_dma source(%dma_start3A_41 : memref<40x128xi32, #tpu.memory_space<hbm>>) target(%arg7 : memref<40x128xi32, #tpu.memory_space<vmem>>) target_semaphore(%run_scoped3A : memref<!tpu.dma_semaphore, #tpu.memory_space<semaphore_mem>>)
      %dma_wait3A = arith.constant 40 : i32
      %dma_wait3A_42 = arith.constant 0 : i32
      %dma_wait3A_43 = tpu.memref_slice %arg4[%add3A, %dma_wait3A, %dma_wait3A_42] : memref<32x80x128xi32, #tpu.memory_space<hbm>> -> memref<1x40x128xi32, #tpu.memory_space<hbm>>
      %dma_wait3A_44 = tpu.memref_squeeze %dma_wait3A_43 : memref<1x40x128xi32, #tpu.memory_space<hbm>> -> memref<40x128xi32, #tpu.memory_space<hbm>>
      %dma_wait3A_45 = arith.constant 40 : i32
      %dma_wait3A_46 = arith.constant 0 : i32
      %dma_wait3A_47 = tpu.memref_slice %arg4[%add3A, %dma_wait3A_45, %dma_wait3A_46] : memref<32x80x128xi32, #tpu.memory_space<hbm>> -> memref<1x40x128xi32, #tpu.memory_space<hbm>>
      %dma_wait3A_48 = tpu.memref_squeeze %dma_wait3A_47 : memref<1x40x128xi32, #tpu.memory_space<hbm>> -> memref<40x128xi32, #tpu.memory_space<hbm>>
      tpu.wait_dma2 semaphore(%run_scoped3A : memref<!tpu.dma_semaphore, #tpu.memory_space<semaphore_mem>>) src(%dma_wait3A_48 : memref<40x128xi32, #tpu.memory_space<hbm>>) dst(%arg7 : memref<40x128xi32, #tpu.memory_space<vmem>>)
      tpu.yield
    }) : () -> ()
    %dma_start3A_16 = arith.constant 0 : i32
    %dma_start3A_17 = arith.constant 0 : i32
    %dma_start3A_18 = tpu.memref_slice %arg6[%dma_start3A_16, %dma_start3A_17] : memref<40x128xi32, #tpu.memory_space<vmem>> -> memref<1x128xi32, #tpu.memory_space<vmem>>
    %dma_start3A_19 = tpu.memref_squeeze %dma_start3A_18 : memref<1x128xi32, #tpu.memory_space<vmem>> -> memref<128xi32, #tpu.memory_space<vmem>>
    %dma_start3A_20 = arith.constant 0 : i32
    %dma_start3A_21 = arith.constant 0 : i32
    %dma_start3A_22 = tpu.memref_slice %arg2[%dma_start3A_20, %dma_start3A_21] : memref<10240x128xf32, #tpu.memory_space<hbm>> -> memref<10240x128xf32, #tpu.memory_space<hbm>>
    tpu.enqueue_indirect_dma source(%dma_start3A_22 : memref<10240x128xf32, #tpu.memory_space<hbm>>) target(%arg8 : memref<128x128xf32, #tpu.memory_space<vmem>>) offsets(%dma_start3A_19 : memref<128xi32, #tpu.memory_space<vmem>>) semaphore(%arg11 : memref<!tpu.dma_semaphore, #tpu.memory_space<semaphore_mem>>)
    %scan3A_23 = arith.constant 0 : i32
    %scan3A_24 = arith.constant 0 : i32
    %scan3A_25 = arith.constant 20 : i32
    %scan3A_26 = arith.addi %scan3A_24, %scan3A_25 : i32
    %scan3A_27 = arith.constant 1 : i32
    scf.for %scan3A_34 = %scan3A_24 to %scan3A_26 step %scan3A_27  : i32 {
      %mul3A_35 = arith.constant 2 : i32
      %mul3A_36 = arith.muli %mul3A_35, %scan3A_34 : i32
      %add3A_37 = arith.constant 1 : i32
      %add3A_38 = arith.addi %mul3A_36, %add3A_37 : i32
      %dma_start3A_39 = arith.constant 0 : i32
      %dma_start3A_40 = tpu.memref_slice %arg6[%add3A_38, %dma_start3A_39] : memref<40x128xi32, #tpu.memory_space<vmem>> -> memref<1x128xi32, #tpu.memory_space<vmem>>
      %dma_start3A_41 = tpu.memref_squeeze %dma_start3A_40 : memref<1x128xi32, #tpu.memory_space<vmem>> -> memref<128xi32, #tpu.memory_space<vmem>>
      %dma_start3A_42 = arith.constant 0 : i32
      %dma_start3A_43 = arith.constant 0 : i32
      %dma_start3A_44 = tpu.memref_slice %arg2[%dma_start3A_42, %dma_start3A_43] : memref<10240x128xf32, #tpu.memory_space<hbm>> -> memref<10240x128xf32, #tpu.memory_space<hbm>>
      tpu.enqueue_indirect_dma source(%dma_start3A_44 : memref<10240x128xf32, #tpu.memory_space<hbm>>) target(%arg9 : memref<128x128xf32, #tpu.memory_space<vmem>>) offsets(%dma_start3A_41 : memref<128xi32, #tpu.memory_space<vmem>>) semaphore(%arg12 : memref<!tpu.dma_semaphore, #tpu.memory_space<semaphore_mem>>)
      %dma_wait3A = arith.constant 0 : i32
      %dma_wait3A_45 = tpu.memref_slice %arg6[%mul3A_36, %dma_wait3A] : memref<40x128xi32, #tpu.memory_space<vmem>> -> memref<1x128xi32, #tpu.memory_space<vmem>>
      %dma_wait3A_46 = tpu.memref_squeeze %dma_wait3A_45 : memref<1x128xi32, #tpu.memory_space<vmem>> -> memref<128xi32, #tpu.memory_space<vmem>>
      %dma_wait3A_47 = arith.constant 0 : i32
      %dma_wait3A_48 = arith.constant 0 : i32
      %dma_wait3A_49 = tpu.memref_slice %arg2[%dma_wait3A_47, %dma_wait3A_48] : memref<10240x128xf32, #tpu.memory_space<hbm>> -> memref<10240x128xf32, #tpu.memory_space<hbm>>
      tpu.wait_indirect_dma semaphore(%arg11 : memref<!tpu.dma_semaphore, #tpu.memory_space<semaphore_mem>>) src(%dma_wait3A_49 : memref<10240x128xf32, #tpu.memory_space<hbm>>) dst(%arg8 : memref<128x128xf32, #tpu.memory_space<vmem>>)
      "tpu.region"() ({
        %run_scoped3A = tpu.sem_alloc : memref<!tpu.dma_semaphore, #tpu.memory_space<semaphore_mem>>
        %dma_start3A_64 = arith.constant 0 : i32
        %dma_start3A_65 = tpu.memref_slice %arg7[%mul3A_36, %dma_start3A_64] : memref<40x128xi32, #tpu.memory_space<vmem>> -> memref<1x128xi32, #tpu.memory_space<vmem>>
        %dma_start3A_66 = tpu.memref_squeeze %dma_start3A_65 : memref<1x128xi32, #tpu.memory_space<vmem>> -> memref<128xi32, #tpu.memory_space<vmem>>
        %dma_start3A_67 = arith.constant 0 : i32
        %dma_start3A_68 = arith.constant 0 : i32
        %dma_start3A_69 = tpu.memref_slice %arg10[%dma_start3A_67, %dma_start3A_68] : memref<10240x128xf32, #tpu.memory_space<vmem_shared>> -> memref<10240x128xf32, #tpu.memory_space<vmem_shared>>
        tpu.enqueue_indirect_dma source(%arg8 : memref<128x128xf32, #tpu.memory_space<vmem>>) target(%dma_start3A_69 : memref<10240x128xf32, #tpu.memory_space<vmem_shared>>) offsets(%dma_start3A_66 : memref<128xi32, #tpu.memory_space<vmem>>) semaphore(%run_scoped3A : memref<!tpu.dma_semaphore, #tpu.memory_space<semaphore_mem>>) {add = true}
        %dma_wait3A_70 = arith.constant 0 : i32
        %dma_wait3A_71 = tpu.memref_slice %arg7[%mul3A_36, %dma_wait3A_70] : memref<40x128xi32, #tpu.memory_space<vmem>> -> memref<1x128xi32, #tpu.memory_space<vmem>>
        %dma_wait3A_72 = tpu.memref_squeeze %dma_wait3A_71 : memref<1x128xi32, #tpu.memory_space<vmem>> -> memref<128xi32, #tpu.memory_space<vmem>>
        %dma_wait3A_73 = arith.constant 0 : i32
        %dma_wait3A_74 = arith.constant 0 : i32
        %dma_wait3A_75 = tpu.memref_slice %arg10[%dma_wait3A_73, %dma_wait3A_74] : memref<10240x128xf32, #tpu.memory_space<vmem_shared>> -> memref<10240x128xf32, #tpu.memory_space<vmem_shared>>
        tpu.wait_indirect_dma semaphore(%run_scoped3A : memref<!tpu.dma_semaphore, #tpu.memory_space<semaphore_mem>>) src(%arg8 : memref<128x128xf32, #tpu.memory_space<vmem>>) dst(%dma_wait3A_75 : memref<10240x128xf32, #tpu.memory_space<vmem_shared>>)
        tpu.yield
      }) : () -> ()
      %add3A_50 = arith.constant 2 : i32
      %add3A_51 = arith.addi %mul3A_36, %add3A_50 : i32
      %lt3A = arith.constant 40 : i32
      %lt3A_52 = arith.cmpi slt, %add3A_51, %lt3A : i32
      %convert_element_type3A = arith.extui %lt3A_52 : i1 to i32
      %cond3A = arith.constant 0 : i32
      %cond3A_53 = arith.cmpi ne, %convert_element_type3A, %cond3A : i32
      scf.if %cond3A_53 {
        %add3A_64 = arith.constant 2 : i32
        %add3A_65 = arith.addi %mul3A_36, %add3A_64 : i32
        %dma_start3A_66 = arith.constant 0 : i32
        %dma_start3A_67 = tpu.memref_slice %arg6[%add3A_65, %dma_start3A_66] : memref<40x128xi32, #tpu.memory_space<vmem>> -> memref<1x128xi32, #tpu.memory_space<vmem>>
        %dma_start3A_68 = tpu.memref_squeeze %dma_start3A_67 : memref<1x128xi32, #tpu.memory_space<vmem>> -> memref<128xi32, #tpu.memory_space<vmem>>
        %dma_start3A_69 = arith.constant 0 : i32
        %dma_start3A_70 = arith.constant 0 : i32
        %dma_start3A_71 = tpu.memref_slice %arg2[%dma_start3A_69, %dma_start3A_70] : memref<10240x128xf32, #tpu.memory_space<hbm>> -> memref<10240x128xf32, #tpu.memory_space<hbm>>
        tpu.enqueue_indirect_dma source(%dma_start3A_71 : memref<10240x128xf32, #tpu.memory_space<hbm>>) target(%arg8 : memref<128x128xf32, #tpu.memory_space<vmem>>) offsets(%dma_start3A_68 : memref<128xi32, #tpu.memory_space<vmem>>) semaphore(%arg11 : memref<!tpu.dma_semaphore, #tpu.memory_space<semaphore_mem>>)
      } else {
      }
      %add3A_54 = arith.constant 1 : i32
      %add3A_55 = arith.addi %mul3A_36, %add3A_54 : i32
      %dma_wait3A_56 = arith.constant 0 : i32
      %dma_wait3A_57 = tpu.memref_slice %arg6[%add3A_55, %dma_wait3A_56] : memref<40x128xi32, #tpu.memory_space<vmem>> -> memref<1x128xi32, #tpu.memory_space<vmem>>
      %dma_wait3A_58 = tpu.memref_squeeze %dma_wait3A_57 : memref<1x128xi32, #tpu.memory_space<vmem>> -> memref<128xi32, #tpu.memory_space<vmem>>
      %dma_wait3A_59 = arith.constant 0 : i32
      %dma_wait3A_60 = arith.constant 0 : i32
      %dma_wait3A_61 = tpu.memref_slice %arg2[%dma_wait3A_59, %dma_wait3A_60] : memref<10240x128xf32, #tpu.memory_space<hbm>> -> memref<10240x128xf32, #tpu.memory_space<hbm>>
      tpu.wait_indirect_dma semaphore(%arg12 : memref<!tpu.dma_semaphore, #tpu.memory_space<semaphore_mem>>) src(%dma_wait3A_61 : memref<10240x128xf32, #tpu.memory_space<hbm>>) dst(%arg9 : memref<128x128xf32, #tpu.memory_space<vmem>>)
      %add3A_62 = arith.constant 1 : i32
      %add3A_63 = arith.addi %mul3A_36, %add3A_62 : i32
      "tpu.region"() ({
        %run_scoped3A = tpu.sem_alloc : memref<!tpu.dma_semaphore, #tpu.memory_space<semaphore_mem>>
        %dma_start3A_64 = arith.constant 0 : i32
        %dma_start3A_65 = tpu.memref_slice %arg7[%add3A_63, %dma_start3A_64] : memref<40x128xi32, #tpu.memory_space<vmem>> -> memref<1x128xi32, #tpu.memory_space<vmem>>
        %dma_start3A_66 = tpu.memref_squeeze %dma_start3A_65 : memref<1x128xi32, #tpu.memory_space<vmem>> -> memref<128xi32, #tpu.memory_space<vmem>>
        %dma_start3A_67 = arith.constant 0 : i32
        %dma_start3A_68 = arith.constant 0 : i32
        %dma_start3A_69 = tpu.memref_slice %arg10[%dma_start3A_67, %dma_start3A_68] : memref<10240x128xf32, #tpu.memory_space<vmem_shared>> -> memref<10240x128xf32, #tpu.memory_space<vmem_shared>>
        tpu.enqueue_indirect_dma source(%arg9 : memref<128x128xf32, #tpu.memory_space<vmem>>) target(%dma_start3A_69 : memref<10240x128xf32, #tpu.memory_space<vmem_shared>>) offsets(%dma_start3A_66 : memref<128xi32, #tpu.memory_space<vmem>>) semaphore(%run_scoped3A : memref<!tpu.dma_semaphore, #tpu.memory_space<semaphore_mem>>) {add = true}
        %dma_wait3A_70 = arith.constant 0 : i32
        %dma_wait3A_71 = tpu.memref_slice %arg7[%add3A_63, %dma_wait3A_70] : memref<40x128xi32, #tpu.memory_space<vmem>> -> memref<1x128xi32, #tpu.memory_space<vmem>>
        %dma_wait3A_72 = tpu.memref_squeeze %dma_wait3A_71 : memref<1x128xi32, #tpu.memory_space<vmem>> -> memref<128xi32, #tpu.memory_space<vmem>>
        %dma_wait3A_73 = arith.constant 0 : i32
        %dma_wait3A_74 = arith.constant 0 : i32
        %dma_wait3A_75 = tpu.memref_slice %arg10[%dma_wait3A_73, %dma_wait3A_74] : memref<10240x128xf32, #tpu.memory_space<vmem_shared>> -> memref<10240x128xf32, #tpu.memory_space<vmem_shared>>
        tpu.wait_indirect_dma semaphore(%run_scoped3A : memref<!tpu.dma_semaphore, #tpu.memory_space<semaphore_mem>>) src(%arg9 : memref<128x128xf32, #tpu.memory_space<vmem>>) dst(%dma_wait3A_75 : memref<10240x128xf32, #tpu.memory_space<vmem_shared>>)
        tpu.yield
      }) : () -> ()
    }
    %scan3A_28 = arith.constant 20 : i32
    %barrier3A_29 = arith.constant 0 : index
    tpu.barrier barrier_id(%barrier3A_29)
    %mul3A_30 = arith.constant 640 : i32
    %mul3A_31 = arith.muli %arg1, %mul3A_30 : i32
    %mul3A_32 = arith.constant 640 : i32
    %mul3A_33 = arith.muli %arg1, %mul3A_32 : i32
    "tpu.region"() ({
      %run_scoped3A = tpu.sem_alloc : memref<!tpu.dma_semaphore, #tpu.memory_space<semaphore_mem>>
      %dma_start3A_34 = arith.constant 0 : i32
      %dma_start3A_35 = tpu.memref_slice %arg5[%arg0, %mul3A_33, %dma_start3A_34] : memref<2x10240x128xf32, #tpu.memory_space<hbm>> -> memref<1x640x128xf32, #tpu.memory_space<hbm>>
      %dma_start3A_36 = tpu.memref_squeeze %dma_start3A_35 : memref<1x640x128xf32, #tpu.memory_space<hbm>> -> memref<640x128xf32, #tpu.memory_space<hbm>>
      %dma_start3A_37 = arith.constant 0 : i32
      %dma_start3A_38 = tpu.memref_slice %arg10[%mul3A_31, %dma_start3A_37] : memref<10240x128xf32, #tpu.memory_space<vmem_shared>> -> memref<640x128xf32, #tpu.memory_space<vmem_shared>>
      tpu.enqueue_dma source(%dma_start3A_38 : memref<640x128xf32, #tpu.memory_space<vmem_shared>>) target(%dma_start3A_36 : memref<640x128xf32, #tpu.memory_space<hbm>>) target_semaphore(%run_scoped3A : memref<!tpu.dma_semaphore, #tpu.memory_space<semaphore_mem>>)
      %dma_wait3A = arith.constant 0 : i32
      %dma_wait3A_39 = tpu.memref_slice %arg5[%arg0, %mul3A_33, %dma_wait3A] : memref<2x10240x128xf32, #tpu.memory_space<hbm>> -> memref<1x640x128xf32, #tpu.memory_space<hbm>>
      %dma_wait3A_40 = tpu.memref_squeeze %dma_wait3A_39 : memref<1x640x128xf32, #tpu.memory_space<hbm>> -> memref<640x128xf32, #tpu.memory_space<hbm>>
      %dma_wait3A_41 = arith.constant 0 : i32
      %dma_wait3A_42 = tpu.memref_slice %arg10[%mul3A_31, %dma_wait3A_41] : memref<10240x128xf32, #tpu.memory_space<vmem_shared>> -> memref<640x128xf32, #tpu.memory_space<vmem_shared>>
      tpu.wait_dma2 semaphore(%run_scoped3A : memref<!tpu.dma_semaphore, #tpu.memory_space<semaphore_mem>>) src(%dma_wait3A_42 : memref<640x128xf32, #tpu.memory_space<vmem_shared>>) dst(%dma_wait3A_40 : memref<640x128xf32, #tpu.memory_space<hbm>>)
      tpu.yield
    }) : () -> ()
    return
  }
}

#map = affine_map<(d0, d1) -> (0, 0, 0)>
#map1 = affine_map<(d0, d1) -> (0)>
module attributes {stable_mosaic.version = 14 : i64} {
  func.func @_deg_kernel(%arg0: i32, %arg1: i32, %arg2: memref<32x80x128xi32, #tpu.memory_space<hbm>>, %arg3: memref<10240xf32, #tpu.memory_space<hbm>>, %arg4: memref<2x1x10240xf32, #tpu.memory_space<hbm>>, %arg5: memref<128xf32, #tpu.memory_space<vmem>>, %arg6: memref<80x128xi32, #tpu.memory_space<vmem>>, %arg7: memref<10240xf32, #tpu.memory_space<vmem_shared>>) attributes {dimension_semantics = [#tpu.dimension_semantics<core_parallel>, #tpu.dimension_semantics<subcore_parallel>], iteration_bounds = array<i64: 2, 16>, scalar_prefetch = 0 : i64, scratch_operands = 3 : i64, tpu.core_type = #tpu.core_type<sc_vector_subcore>, window_params = [{transform_indices = #map}, {transform_indices = #map1}, {transform_indices = #map}]} {
    %mul3A = arith.constant 16 : i32
    %mul3A_0 = arith.muli %arg0, %mul3A : i32
    %add3A = arith.addi %mul3A_0, %arg1 : i32
    %broadcast_in_dim3A = arith.constant 1.000000e+00 : f32
    %broadcast_in_dim3A_1 = vector.broadcast %broadcast_in_dim3A : f32 to vector<16xf32>
    %swap3A = arith.constant 0 : index
    %swap3A_2 = tpu.vector_load %arg5[%swap3A] {strides = array<i32>} : memref<128xf32, #tpu.memory_space<vmem>>, vector<16xf32>,
    %swap3A_3 = vector.shape_cast %swap3A_2 : vector<16xf32> to vector<16xf32>
    %swap3A_4 = vector.shape_cast %broadcast_in_dim3A_1 : vector<16xf32> to vector<16xf32>
    tpu.vector_store %arg5[%swap3A], %swap3A_4 {strides = array<i32>} : memref<128xf32, #tpu.memory_space<vmem>>, vector<16xf32>,
    %broadcast_in_dim3A_5 = arith.constant 1.000000e+00 : f32
    %broadcast_in_dim3A_6 = vector.broadcast %broadcast_in_dim3A_5 : f32 to vector<16xf32>
    %swap3A_7 = arith.constant 16 : index
    %swap3A_8 = tpu.vector_load %arg5[%swap3A_7] {strides = array<i32>} : memref<128xf32, #tpu.memory_space<vmem>>, vector<16xf32>,
    %swap3A_9 = vector.shape_cast %swap3A_8 : vector<16xf32> to vector<16xf32>
    %swap3A_10 = vector.shape_cast %broadcast_in_dim3A_6 : vector<16xf32> to vector<16xf32>
    tpu.vector_store %arg5[%swap3A_7], %swap3A_10 {strides = array<i32>} : memref<128xf32, #tpu.memory_space<vmem>>, vector<16xf32>,
    %broadcast_in_dim3A_11 = arith.constant 1.000000e+00 : f32
    %broadcast_in_dim3A_12 = vector.broadcast %broadcast_in_dim3A_11 : f32 to vector<16xf32>
    %swap3A_13 = arith.constant 32 : index
    %swap3A_14 = tpu.vector_load %arg5[%swap3A_13] {strides = array<i32>} : memref<128xf32, #tpu.memory_space<vmem>>, vector<16xf32>,
    %swap3A_15 = vector.shape_cast %swap3A_14 : vector<16xf32> to vector<16xf32>
    %swap3A_16 = vector.shape_cast %broadcast_in_dim3A_12 : vector<16xf32> to vector<16xf32>
    tpu.vector_store %arg5[%swap3A_13], %swap3A_16 {strides = array<i32>} : memref<128xf32, #tpu.memory_space<vmem>>, vector<16xf32>,
    %broadcast_in_dim3A_17 = arith.constant 1.000000e+00 : f32
    %broadcast_in_dim3A_18 = vector.broadcast %broadcast_in_dim3A_17 : f32 to vector<16xf32>
    %swap3A_19 = arith.constant 48 : index
    %swap3A_20 = tpu.vector_load %arg5[%swap3A_19] {strides = array<i32>} : memref<128xf32, #tpu.memory_space<vmem>>, vector<16xf32>,
    %swap3A_21 = vector.shape_cast %swap3A_20 : vector<16xf32> to vector<16xf32>
    %swap3A_22 = vector.shape_cast %broadcast_in_dim3A_18 : vector<16xf32> to vector<16xf32>
    tpu.vector_store %arg5[%swap3A_19], %swap3A_22 {strides = array<i32>} : memref<128xf32, #tpu.memory_space<vmem>>, vector<16xf32>,
    %broadcast_in_dim3A_23 = arith.constant 1.000000e+00 : f32
    %broadcast_in_dim3A_24 = vector.broadcast %broadcast_in_dim3A_23 : f32 to vector<16xf32>
    %swap3A_25 = arith.constant 64 : index
    %swap3A_26 = tpu.vector_load %arg5[%swap3A_25] {strides = array<i32>} : memref<128xf32, #tpu.memory_space<vmem>>, vector<16xf32>,
    %swap3A_27 = vector.shape_cast %swap3A_26 : vector<16xf32> to vector<16xf32>
    %swap3A_28 = vector.shape_cast %broadcast_in_dim3A_24 : vector<16xf32> to vector<16xf32>
    tpu.vector_store %arg5[%swap3A_25], %swap3A_28 {strides = array<i32>} : memref<128xf32, #tpu.memory_space<vmem>>, vector<16xf32>,
    %broadcast_in_dim3A_29 = arith.constant 1.000000e+00 : f32
    %broadcast_in_dim3A_30 = vector.broadcast %broadcast_in_dim3A_29 : f32 to vector<16xf32>
    %swap3A_31 = arith.constant 80 : index
    %swap3A_32 = tpu.vector_load %arg5[%swap3A_31] {strides = array<i32>} : memref<128xf32, #tpu.memory_space<vmem>>, vector<16xf32>,
    %swap3A_33 = vector.shape_cast %swap3A_32 : vector<16xf32> to vector<16xf32>
    %swap3A_34 = vector.shape_cast %broadcast_in_dim3A_30 : vector<16xf32> to vector<16xf32>
    tpu.vector_store %arg5[%swap3A_31], %swap3A_34 {strides = array<i32>} : memref<128xf32, #tpu.memory_space<vmem>>, vector<16xf32>,
    %broadcast_in_dim3A_35 = arith.constant 1.000000e+00 : f32
    %broadcast_in_dim3A_36 = vector.broadcast %broadcast_in_dim3A_35 : f32 to vector<16xf32>
    %swap3A_37 = arith.constant 96 : index
    %swap3A_38 = tpu.vector_load %arg5[%swap3A_37] {strides = array<i32>} : memref<128xf32, #tpu.memory_space<vmem>>, vector<16xf32>,
    %swap3A_39 = vector.shape_cast %swap3A_38 : vector<16xf32> to vector<16xf32>
    %swap3A_40 = vector.shape_cast %broadcast_in_dim3A_36 : vector<16xf32> to vector<16xf32>
    tpu.vector_store %arg5[%swap3A_37], %swap3A_40 {strides = array<i32>} : memref<128xf32, #tpu.memory_space<vmem>>, vector<16xf32>,
    %broadcast_in_dim3A_41 = arith.constant 1.000000e+00 : f32
    %broadcast_in_dim3A_42 = vector.broadcast %broadcast_in_dim3A_41 : f32 to vector<16xf32>
    %swap3A_43 = arith.constant 112 : index
    %swap3A_44 = tpu.vector_load %arg5[%swap3A_43] {strides = array<i32>} : memref<128xf32, #tpu.memory_space<vmem>>, vector<16xf32>,
    %swap3A_45 = vector.shape_cast %swap3A_44 : vector<16xf32> to vector<16xf32>
    %swap3A_46 = vector.shape_cast %broadcast_in_dim3A_42 : vector<16xf32> to vector<16xf32>
    tpu.vector_store %arg5[%swap3A_43], %swap3A_46 {strides = array<i32>} : memref<128xf32, #tpu.memory_space<vmem>>, vector<16xf32>,
    %mul3A_47 = arith.constant 640 : i32
    %mul3A_48 = arith.muli %arg1, %mul3A_47 : i32
    %mul3A_49 = arith.constant 640 : i32
    %mul3A_50 = arith.muli %arg1, %mul3A_49 : i32
    "tpu.region"() ({
      %run_scoped3A_61 = tpu.sem_alloc : memref<!tpu.dma_semaphore, #tpu.memory_space<semaphore_mem>>
      %dma_start3A = tpu.memref_slice %arg7[%mul3A_50] : memref<10240xf32, #tpu.memory_space<vmem_shared>> -> memref<640xf32, #tpu.memory_space<vmem_shared>>
      %dma_start3A_62 = tpu.memref_slice %arg3[%mul3A_48] : memref<10240xf32, #tpu.memory_space<hbm>> -> memref<640xf32, #tpu.memory_space<hbm>>
      tpu.enqueue_dma source(%dma_start3A_62 : memref<640xf32, #tpu.memory_space<hbm>>) target(%dma_start3A : memref<640xf32, #tpu.memory_space<vmem_shared>>) target_semaphore(%run_scoped3A_61 : memref<!tpu.dma_semaphore, #tpu.memory_space<semaphore_mem>>)
      %dma_wait3A = tpu.memref_slice %arg7[%mul3A_50] : memref<10240xf32, #tpu.memory_space<vmem_shared>> -> memref<640xf32, #tpu.memory_space<vmem_shared>>
      %dma_wait3A_63 = tpu.memref_slice %arg3[%mul3A_48] : memref<10240xf32, #tpu.memory_space<hbm>> -> memref<640xf32, #tpu.memory_space<hbm>>
      tpu.wait_dma2 semaphore(%run_scoped3A_61 : memref<!tpu.dma_semaphore, #tpu.memory_space<semaphore_mem>>) src(%dma_wait3A_63 : memref<640xf32, #tpu.memory_space<hbm>>) dst(%dma_wait3A : memref<640xf32, #tpu.memory_space<vmem_shared>>)
      tpu.yield
    }) : () -> ()
    %barrier3A = arith.constant 0 : index
    tpu.barrier barrier_id(%barrier3A)
    "tpu.region"() ({
      %run_scoped3A_61 = tpu.sem_alloc : memref<!tpu.dma_semaphore, #tpu.memory_space<semaphore_mem>>
      %dma_start3A = arith.constant 0 : i32
      %dma_start3A_62 = arith.constant 0 : i32
      %dma_start3A_63 = tpu.memref_slice %arg2[%add3A, %dma_start3A, %dma_start3A_62] : memref<32x80x128xi32, #tpu.memory_space<hbm>> -> memref<1x80x128xi32, #tpu.memory_space<hbm>>
      %dma_start3A_64 = tpu.memref_squeeze %dma_start3A_63 : memref<1x80x128xi32, #tpu.memory_space<hbm>> -> memref<80x128xi32, #tpu.memory_space<hbm>>
      %dma_start3A_65 = arith.constant 0 : i32
      %dma_start3A_66 = arith.constant 0 : i32
      %dma_start3A_67 = tpu.memref_slice %arg2[%add3A, %dma_start3A_65, %dma_start3A_66] : memref<32x80x128xi32, #tpu.memory_space<hbm>> -> memref<1x80x128xi32, #tpu.memory_space<hbm>>
      %dma_start3A_68 = tpu.memref_squeeze %dma_start3A_67 : memref<1x80x128xi32, #tpu.memory_space<hbm>> -> memref<80x128xi32, #tpu.memory_space<hbm>>
      tpu.enqueue_dma source(%dma_start3A_68 : memref<80x128xi32, #tpu.memory_space<hbm>>) target(%arg6 : memref<80x128xi32, #tpu.memory_space<vmem>>) target_semaphore(%run_scoped3A_61 : memref<!tpu.dma_semaphore, #tpu.memory_space<semaphore_mem>>)
      %dma_wait3A = arith.constant 0 : i32
      %dma_wait3A_69 = arith.constant 0 : i32
      %dma_wait3A_70 = tpu.memref_slice %arg2[%add3A, %dma_wait3A, %dma_wait3A_69] : memref<32x80x128xi32, #tpu.memory_space<hbm>> -> memref<1x80x128xi32, #tpu.memory_space<hbm>>
      %dma_wait3A_71 = tpu.memref_squeeze %dma_wait3A_70 : memref<1x80x128xi32, #tpu.memory_space<hbm>> -> memref<80x128xi32, #tpu.memory_space<hbm>>
      %dma_wait3A_72 = arith.constant 0 : i32
      %dma_wait3A_73 = arith.constant 0 : i32
      %dma_wait3A_74 = tpu.memref_slice %arg2[%add3A, %dma_wait3A_72, %dma_wait3A_73] : memref<32x80x128xi32, #tpu.memory_space<hbm>> -> memref<1x80x128xi32, #tpu.memory_space<hbm>>
      %dma_wait3A_75 = tpu.memref_squeeze %dma_wait3A_74 : memref<1x80x128xi32, #tpu.memory_space<hbm>> -> memref<80x128xi32, #tpu.memory_space<hbm>>
      tpu.wait_dma2 semaphore(%run_scoped3A_61 : memref<!tpu.dma_semaphore, #tpu.memory_space<semaphore_mem>>) src(%dma_wait3A_75 : memref<80x128xi32, #tpu.memory_space<hbm>>) dst(%arg6 : memref<80x128xi32, #tpu.memory_space<vmem>>)
      tpu.yield
    }) : () -> ()
    %scan3A = arith.constant 0 : i32
    %scan3A_51 = arith.constant 0 : i32
    %scan3A_52 = arith.constant 80 : i32
    %scan3A_53 = arith.addi %scan3A_51, %scan3A_52 : i32
    %scan3A_54 = arith.constant 1 : i32
    scf.for %scan3A_61 = %scan3A_51 to %scan3A_53 step %scan3A_54  : i32 {
      "tpu.region"() ({
        %run_scoped3A_62 = tpu.sem_alloc : memref<!tpu.dma_semaphore, #tpu.memory_space<semaphore_mem>>
        %dma_start3A = arith.constant 0 : i32
        %dma_start3A_63 = tpu.memref_slice %arg6[%scan3A_61, %dma_start3A] : memref<80x128xi32, #tpu.memory_space<vmem>> -> memref<1x128xi32, #tpu.memory_space<vmem>>
        %dma_start3A_64 = tpu.memref_squeeze %dma_start3A_63 : memref<1x128xi32, #tpu.memory_space<vmem>> -> memref<128xi32, #tpu.memory_space<vmem>>
        %dma_start3A_65 = arith.constant 0 : i32
        %dma_start3A_66 = tpu.memref_slice %arg7[%dma_start3A_65] : memref<10240xf32, #tpu.memory_space<vmem_shared>> -> memref<10240xf32, #tpu.memory_space<vmem_shared>>
        tpu.enqueue_indirect_dma source(%arg5 : memref<128xf32, #tpu.memory_space<vmem>>) target(%dma_start3A_66 : memref<10240xf32, #tpu.memory_space<vmem_shared>>) offsets(%dma_start3A_64 : memref<128xi32, #tpu.memory_space<vmem>>) semaphore(%run_scoped3A_62 : memref<!tpu.dma_semaphore, #tpu.memory_space<semaphore_mem>>) {add = true}
        %dma_wait3A = arith.constant 0 : i32
        %dma_wait3A_67 = tpu.memref_slice %arg6[%scan3A_61, %dma_wait3A] : memref<80x128xi32, #tpu.memory_space<vmem>> -> memref<1x128xi32, #tpu.memory_space<vmem>>
        %dma_wait3A_68 = tpu.memref_squeeze %dma_wait3A_67 : memref<1x128xi32, #tpu.memory_space<vmem>> -> memref<128xi32, #tpu.memory_space<vmem>>
        %dma_wait3A_69 = arith.constant 0 : i32
        %dma_wait3A_70 = tpu.memref_slice %arg7[%dma_wait3A_69] : memref<10240xf32, #tpu.memory_space<vmem_shared>> -> memref<10240xf32, #tpu.memory_space<vmem_shared>>
        tpu.wait_indirect_dma semaphore(%run_scoped3A_62 : memref<!tpu.dma_semaphore, #tpu.memory_space<semaphore_mem>>) src(%arg5 : memref<128xf32, #tpu.memory_space<vmem>>) dst(%dma_wait3A_70 : memref<10240xf32, #tpu.memory_space<vmem_shared>>)
        tpu.yield
      }) : () -> ()
    }
    %scan3A_55 = arith.constant 80 : i32
    %barrier3A_56 = arith.constant 0 : index
    tpu.barrier barrier_id(%barrier3A_56)
    %mul3A_57 = arith.constant 640 : i32
    %mul3A_58 = arith.muli %arg1, %mul3A_57 : i32
    %mul3A_59 = arith.constant 640 : i32
    %mul3A_60 = arith.muli %arg1, %mul3A_59 : i32
    %run_scoped3A = arith.constant 0 : i32
    "tpu.region"() ({
      %run_scoped3A_61 = tpu.sem_alloc : memref<!tpu.dma_semaphore, #tpu.memory_space<semaphore_mem>>
      %dma_start3A = tpu.memref_slice %arg4[%arg0, %run_scoped3A, %mul3A_60] : memref<2x1x10240xf32, #tpu.memory_space<hbm>> -> memref<1x1x640xf32, #tpu.memory_space<hbm>>
      %dma_start3A_62 = tpu.memref_squeeze %dma_start3A : memref<1x1x640xf32, #tpu.memory_space<hbm>> -> memref<640xf32, #tpu.memory_space<hbm>>
      %dma_start3A_63 = tpu.memref_slice %arg7[%mul3A_58] : memref<10240xf32, #tpu.memory_space<vmem_shared>> -> memref<640xf32, #tpu.memory_space<vmem_shared>>
      tpu.enqueue_dma source(%dma_start3A_63 : memref<640xf32, #tpu.memory_space<vmem_shared>>) target(%dma_start3A_62 : memref<640xf32, #tpu.memory_space<hbm>>) target_semaphore(%run_scoped3A_61 : memref<!tpu.dma_semaphore, #tpu.memory_space<semaphore_mem>>)
      %dma_wait3A = tpu.memref_slice %arg4[%arg0, %run_scoped3A, %mul3A_60] : memref<2x1x10240xf32, #tpu.memory_space<hbm>> -> memref<1x1x640xf32, #tpu.memory_space<hbm>>
      %dma_wait3A_64 = tpu.memref_squeeze %dma_wait3A : memref<1x1x640xf32, #tpu.memory_space<hbm>> -> memref<640xf32, #tpu.memory_space<hbm>>
      %dma_wait3A_65 = tpu.memref_slice %arg7[%mul3A_58] : memref<10240xf32, #tpu.memory_space<vmem_shared>> -> memref<640xf32, #tpu.memory_space<vmem_shared>>
      tpu.wait_dma2 semaphore(%run_scoped3A_61 : memref<!tpu.dma_semaphore, #tpu.memory_space<semaphore_mem>>) src(%dma_wait3A_65 : memref<640xf32, #tpu.memory_space<vmem_shared>>) dst(%dma_wait3A_64 : memref<640xf32, #tpu.memory_space<hbm>>)
      tpu.yield
    }) : () -> ()
    return
  }
}

module attributes {stable_mosaic.version = 14 : i64} {
  func.func @_tc1_body(%arg0: i32, %arg1: memref<1280x128xf32, #tpu.memory_space<vmem>>, %arg2: memref<128x128xf32, #tpu.memory_space<vmem>>, %arg3: memref<2x10240xf32, #tpu.memory_space<vmem>>, %arg4: memref<1280x128xf32, #tpu.memory_space<vmem>>) attributes {dimension_semantics = [#tpu.dimension_semantics<arbitrary>], iteration_bounds = array<i64: 8>, scalar_prefetch = 0 : i64, scratch_operands = 0 : i64, tpu.core_type = #tpu.core_type<tc>, window_params = [{transform_indices = @transform_0, window_bounds = array<i64: 1280, 128>}, {pipeline_mode = #tpu.pipeline_mode<synchronous>, transform_indices = @transform_1, window_bounds = array<i64: 128, 128>}, {pipeline_mode = #tpu.pipeline_mode<synchronous>, transform_indices = @transform_2, window_bounds = array<i64: 2, 10240>}, {transform_indices = @transform_3, window_bounds = array<i64: 1280, 128>}]} {
    %mul3A = arith.constant 1280 : i32
    %mul3A_0 = arith.muli %arg0, %mul3A : i32
    %get3A = arith.constant 0 : index
    %get3A_1 = arith.index_cast %mul3A_0 : i32 to index
    %get3A_2 = vector.load %arg3[%get3A, %get3A_1] : memref<2x10240xf32, #tpu.memory_space<vmem>>, vector<1x1280xf32>
    %get3A_3 = vector.shape_cast %get3A_2 : vector<1x1280xf32> to vector<1280xf32>
    %get3A_4 = arith.constant 1 : index
    %get3A_5 = arith.index_cast %mul3A_0 : i32 to index
    %get3A_6 = vector.load %arg3[%get3A_4, %get3A_5] : memref<2x10240xf32, #tpu.memory_space<vmem>>, vector<1x1280xf32>
    %get3A_7 = vector.shape_cast %get3A_6 : vector<1x1280xf32> to vector<1280xf32>
    %add3A = arith.addf %get3A_3, %get3A_7 : vector<1280xf32>
    %add3A_8 = arith.constant 1.000000e+00 : f32
    %add3A_9 = vector.broadcast %add3A_8 : f32 to vector<1280xf32>
    %add3A_10 = arith.addf %add3A, %add3A_9 : vector<1280xf32>
    %rsqrt3A = math.rsqrt %add3A_10 : vector<1280xf32>
    %get3A_11 = arith.constant 0 : index
    %get3A_12 = arith.constant 0 : index
    %get3A_13 = vector.load %arg1[%get3A_11, %get3A_12] : memref<1280x128xf32, #tpu.memory_space<vmem>>, vector<1280x128xf32>
    %get3A_14 = arith.constant 0 : index
    %get3A_15 = arith.constant 0 : index
    %get3A_16 = vector.load %arg2[%get3A_14, %get3A_15] : memref<128x128xf32, #tpu.memory_space<vmem>>, vector<128x128xf32>
    %dot_general3A = arith.constant dense<0.000000e+00> : vector<1280x128xf32>
    %dot_general3A_17 = tpu.matmul %get3A_13, %get3A_16, %dot_general3A {dimension_numbers = #tpu.dot_dimension_numbers<[1], [0], [0], [1], [0, 0, 1, 1], [], []>, transpose_lhs_hint = false} : vector<1280x128xf32>, vector<128x128xf32>, vector<1280x128xf32> -> vector<1280x128xf32>
    %broadcast_in_dim3A = vector.shape_cast %rsqrt3A : vector<1280xf32> to vector<1280x1xf32>
    %mul3A_18 = vector.broadcast %broadcast_in_dim3A : vector<1280x1xf32> to vector<1280x128xf32>
    %mul3A_19 = arith.mulf %dot_general3A_17, %mul3A_18 : vector<1280x128xf32>
    %swap3A = arith.constant 0 : index
    %swap3A_20 = arith.constant 0 : index
    %swap3A_21 = vector.load %arg4[%swap3A, %swap3A_20] : memref<1280x128xf32, #tpu.memory_space<vmem>>, vector<1280x128xf32>
    tpu.vector_store %arg4[%swap3A, %swap3A_20], %mul3A_19 {strides = array<i32>} : memref<1280x128xf32, #tpu.memory_space<vmem>>, vector<1280x128xf32>,
    return
  }
  func.func @transform_0(%arg0: i32) -> (i32, i32) {
    %c0_i32 = arith.constant 0 : i32
    %c0_i32_0 = arith.constant 0 : i32
    return %arg0, %c0_i32 : i32, i32
  }
  func.func @transform_1(%arg0: i32) -> (i32, i32) {
    %c0_i32 = arith.constant 0 : i32
    %c0_i32_0 = arith.constant 0 : i32
    %c0_i32_1 = arith.constant 0 : i32
    return %c0_i32, %c0_i32_0 : i32, i32
  }
  func.func @transform_2(%arg0: i32) -> (i32, i32) {
    %c0_i32 = arith.constant 0 : i32
    %c0_i32_0 = arith.constant 0 : i32
    %c0_i32_1 = arith.constant 0 : i32
    return %c0_i32, %c0_i32_0 : i32, i32
  }
  func.func @transform_3(%arg0: i32) -> (i32, i32) {
    %c0_i32 = arith.constant 0 : i32
    %c0_i32_0 = arith.constant 0 : i32
    return %arg0, %c0_i32 : i32, i32
  }
}

module attributes {stable_mosaic.version = 14 : i64} {
  func.func @_tc2_body(%arg0: i32, %arg1: memref<2x1280x128xf32, #tpu.memory_space<vmem>>, %arg2: memref<1280x128xf32, #tpu.memory_space<vmem>>, %arg3: memref<2x10240xf32, #tpu.memory_space<vmem>>, %arg4: memref<128x64xf32, #tpu.memory_space<vmem>>, %arg5: memref<1x128xf32, #tpu.memory_space<vmem>>, %arg6: memref<1280x64xf32, #tpu.memory_space<vmem>>) attributes {dimension_semantics = [#tpu.dimension_semantics<arbitrary>], iteration_bounds = array<i64: 8>, scalar_prefetch = 0 : i64, scratch_operands = 0 : i64, tpu.core_type = #tpu.core_type<tc>, window_params = [{transform_indices = @transform_0, window_bounds = array<i64: 2, 1280, 128>}, {transform_indices = @transform_1, window_bounds = array<i64: 1280, 128>}, {pipeline_mode = #tpu.pipeline_mode<synchronous>, transform_indices = @transform_2, window_bounds = array<i64: 2, 10240>}, {pipeline_mode = #tpu.pipeline_mode<synchronous>, transform_indices = @transform_3, window_bounds = array<i64: 128, 64>}, {pipeline_mode = #tpu.pipeline_mode<synchronous>, transform_indices = @transform_4, window_bounds = array<i64: 1, 128>}, {transform_indices = @transform_5, window_bounds = array<i64: 1280, 64>}]} {
    %mul3A = arith.constant 1280 : i32
    %mul3A_0 = arith.muli %arg0, %mul3A : i32
    %get3A = arith.constant 0 : index
    %get3A_1 = arith.index_cast %mul3A_0 : i32 to index
    %get3A_2 = vector.load %arg3[%get3A, %get3A_1] : memref<2x10240xf32, #tpu.memory_space<vmem>>, vector<1x1280xf32>
    %get3A_3 = vector.shape_cast %get3A_2 : vector<1x1280xf32> to vector<1280xf32>
    %get3A_4 = arith.constant 1 : index
    %get3A_5 = arith.index_cast %mul3A_0 : i32 to index
    %get3A_6 = vector.load %arg3[%get3A_4, %get3A_5] : memref<2x10240xf32, #tpu.memory_space<vmem>>, vector<1x1280xf32>
    %get3A_7 = vector.shape_cast %get3A_6 : vector<1x1280xf32> to vector<1280xf32>
    %add3A = arith.addf %get3A_3, %get3A_7 : vector<1280xf32>
    %add3A_8 = arith.constant 1.000000e+00 : f32
    %add3A_9 = vector.broadcast %add3A_8 : f32 to vector<1280xf32>
    %add3A_10 = arith.addf %add3A, %add3A_9 : vector<1280xf32>
    %rsqrt3A = math.rsqrt %add3A_10 : vector<1280xf32>
    %get3A_11 = arith.constant 0 : index
    %get3A_12 = arith.constant 0 : index
    %get3A_13 = arith.constant 0 : index
    %get3A_14 = vector.load %arg1[%get3A_11, %get3A_12, %get3A_13] : memref<2x1280x128xf32, #tpu.memory_space<vmem>>, vector<1x1280x128xf32>
    %get3A_15 = vector.shape_cast %get3A_14 : vector<1x1280x128xf32> to vector<1280x128xf32>
    %get3A_16 = arith.constant 1 : index
    %get3A_17 = arith.constant 0 : index
    %get3A_18 = arith.constant 0 : index
    %get3A_19 = vector.load %arg1[%get3A_16, %get3A_17, %get3A_18] : memref<2x1280x128xf32, #tpu.memory_space<vmem>>, vector<1x1280x128xf32>
    %get3A_20 = vector.shape_cast %get3A_19 : vector<1x1280x128xf32> to vector<1280x128xf32>
    %add3A_21 = arith.addf %get3A_15, %get3A_20 : vector<1280x128xf32>
    %get3A_22 = arith.constant 0 : index
    %get3A_23 = arith.constant 0 : index
    %get3A_24 = vector.load %arg2[%get3A_22, %get3A_23] : memref<1280x128xf32, #tpu.memory_space<vmem>>, vector<1280x128xf32>
    %sub3A = arith.subf %add3A_21, %get3A_24 : vector<1280x128xf32>
    %broadcast_in_dim3A = vector.shape_cast %rsqrt3A : vector<1280xf32> to vector<1280x1xf32>
    %mul3A_25 = vector.broadcast %broadcast_in_dim3A : vector<1280x1xf32> to vector<1280x128xf32>
    %mul3A_26 = arith.mulf %sub3A, %mul3A_25 : vector<1280x128xf32>
    %get3A_27 = arith.constant 0 : index
    %get3A_28 = arith.constant 0 : index
    %get3A_29 = vector.load %arg5[%get3A_27, %get3A_28] : memref<1x128xf32, #tpu.memory_space<vmem>>, vector<1x128xf32>
    %get3A_30 = vector.shape_cast %get3A_29 : vector<1x128xf32> to vector<128xf32>
    %broadcast_in_dim3A_31 = vector.shape_cast %get3A_30 : vector<128xf32> to vector<1x128xf32>
    %add3A_32 = vector.broadcast %broadcast_in_dim3A_31 : vector<1x128xf32> to vector<1280x128xf32>
    %add3A_33 = arith.addf %mul3A_26, %add3A_32 : vector<1280x128xf32>
    %max3A = arith.constant 0.000000e+00 : f32
    %max3A_34 = vector.broadcast %max3A : f32 to vector<1280x128xf32>
    %max3A_35 = arith.maximumf %add3A_33, %max3A_34 : vector<1280x128xf32>
    %get3A_36 = arith.constant 0 : index
    %get3A_37 = arith.constant 0 : index
    %get3A_38 = vector.load %arg4[%get3A_36, %get3A_37] : memref<128x64xf32, #tpu.memory_space<vmem>>, vector<128x64xf32>
    %dot_general3A = arith.constant dense<0.000000e+00> : vector<1280x64xf32>
    %dot_general3A_39 = tpu.matmul %max3A_35, %get3A_38, %dot_general3A {dimension_numbers = #tpu.dot_dimension_numbers<[1], [0], [0], [1], [0, 0, 1, 1], [], []>, transpose_lhs_hint = false} : vector<1280x128xf32>, vector<128x64xf32>, vector<1280x64xf32> -> vector<1280x64xf32>
    %broadcast_in_dim3A_40 = vector.shape_cast %rsqrt3A : vector<1280xf32> to vector<1280x1xf32>
    %mul3A_41 = vector.broadcast %broadcast_in_dim3A_40 : vector<1280x1xf32> to vector<1280x64xf32>
    %mul3A_42 = arith.mulf %dot_general3A_39, %mul3A_41 : vector<1280x64xf32>
    %swap3A = arith.constant 0 : index
    %swap3A_43 = arith.constant 0 : index
    %swap3A_44 = vector.load %arg6[%swap3A, %swap3A_43] : memref<1280x64xf32, #tpu.memory_space<vmem>>, vector<1280x64xf32>
    tpu.vector_store %arg6[%swap3A, %swap3A_43], %mul3A_42 {strides = array<i32>} : memref<1280x64xf32, #tpu.memory_space<vmem>>, vector<1280x64xf32>,
    return
  }
  func.func @transform_0(%arg0: i32) -> (i32, i32, i32) {
    %c0_i32 = arith.constant 0 : i32
    %c0_i32_0 = arith.constant 0 : i32
    %c0_i32_1 = arith.constant 0 : i32
    return %c0_i32, %arg0, %c0_i32_0 : i32, i32, i32
  }
  func.func @transform_1(%arg0: i32) -> (i32, i32) {
    %c0_i32 = arith.constant 0 : i32
    %c0_i32_0 = arith.constant 0 : i32
    return %arg0, %c0_i32 : i32, i32
  }
  func.func @transform_2(%arg0: i32) -> (i32, i32) {
    %c0_i32 = arith.constant 0 : i32
    %c0_i32_0 = arith.constant 0 : i32
    %c0_i32_1 = arith.constant 0 : i32
    return %c0_i32, %c0_i32_0 : i32, i32
  }
  func.func @transform_3(%arg0: i32) -> (i32, i32) {
    %c0_i32 = arith.constant 0 : i32
    %c0_i32_0 = arith.constant 0 : i32
    %c0_i32_1 = arith.constant 0 : i32
    return %c0_i32, %c0_i32_0 : i32, i32
  }
  func.func @transform_4(%arg0: i32) -> (i32, i32) {
    %c0_i32 = arith.constant 0 : i32
    %c0_i32_0 = arith.constant 0 : i32
    %c0_i32_1 = arith.constant 0 : i32
    return %c0_i32, %c0_i32_0 : i32, i32
  }
  func.func @transform_5(%arg0: i32) -> (i32, i32) {
    %c0_i32 = arith.constant 0 : i32
    %c0_i32_0 = arith.constant 0 : i32
    return %arg0, %c0_i32 : i32, i32
  }
}

module attributes {stable_mosaic.version = 14 : i64} {
  func.func @_tc3_body(%arg0: i32, %arg1: memref<2x1280x64xf32, #tpu.memory_space<vmem>>, %arg2: memref<1280x64xf32, #tpu.memory_space<vmem>>, %arg3: memref<2x10240xf32, #tpu.memory_space<vmem>>, %arg4: memref<1x64xf32, #tpu.memory_space<vmem>>, %arg5: memref<1280x64xf32, #tpu.memory_space<vmem>>) attributes {dimension_semantics = [#tpu.dimension_semantics<arbitrary>], iteration_bounds = array<i64: 8>, scalar_prefetch = 0 : i64, scratch_operands = 0 : i64, tpu.core_type = #tpu.core_type<tc>, window_params = [{transform_indices = @transform_0, window_bounds = array<i64: 2, 1280, 64>}, {transform_indices = @transform_1, window_bounds = array<i64: 1280, 64>}, {pipeline_mode = #tpu.pipeline_mode<synchronous>, transform_indices = @transform_2, window_bounds = array<i64: 2, 10240>}, {pipeline_mode = #tpu.pipeline_mode<synchronous>, transform_indices = @transform_3, window_bounds = array<i64: 1, 64>}, {transform_indices = @transform_4, window_bounds = array<i64: 1280, 64>}]} {
    %mul3A = arith.constant 1280 : i32
    %mul3A_0 = arith.muli %arg0, %mul3A : i32
    %get3A = arith.constant 0 : index
    %get3A_1 = arith.index_cast %mul3A_0 : i32 to index
    %get3A_2 = vector.load %arg3[%get3A, %get3A_1] : memref<2x10240xf32, #tpu.memory_space<vmem>>, vector<1x1280xf32>
    %get3A_3 = vector.shape_cast %get3A_2 : vector<1x1280xf32> to vector<1280xf32>
    %get3A_4 = arith.constant 1 : index
    %get3A_5 = arith.index_cast %mul3A_0 : i32 to index
    %get3A_6 = vector.load %arg3[%get3A_4, %get3A_5] : memref<2x10240xf32, #tpu.memory_space<vmem>>, vector<1x1280xf32>
    %get3A_7 = vector.shape_cast %get3A_6 : vector<1x1280xf32> to vector<1280xf32>
    %add3A = arith.addf %get3A_3, %get3A_7 : vector<1280xf32>
    %add3A_8 = arith.constant 1.000000e+00 : f32
    %add3A_9 = vector.broadcast %add3A_8 : f32 to vector<1280xf32>
    %add3A_10 = arith.addf %add3A, %add3A_9 : vector<1280xf32>
    %rsqrt3A = math.rsqrt %add3A_10 : vector<1280xf32>
    %get3A_11 = arith.constant 0 : index
    %get3A_12 = arith.constant 0 : index
    %get3A_13 = arith.constant 0 : index
    %get3A_14 = vector.load %arg1[%get3A_11, %get3A_12, %get3A_13] : memref<2x1280x64xf32, #tpu.memory_space<vmem>>, vector<1x1280x64xf32>
    %get3A_15 = vector.shape_cast %get3A_14 : vector<1x1280x64xf32> to vector<1280x64xf32>
    %get3A_16 = arith.constant 1 : index
    %get3A_17 = arith.constant 0 : index
    %get3A_18 = arith.constant 0 : index
    %get3A_19 = vector.load %arg1[%get3A_16, %get3A_17, %get3A_18] : memref<2x1280x64xf32, #tpu.memory_space<vmem>>, vector<1x1280x64xf32>
    %get3A_20 = vector.shape_cast %get3A_19 : vector<1x1280x64xf32> to vector<1280x64xf32>
    %add3A_21 = arith.addf %get3A_15, %get3A_20 : vector<1280x64xf32>
    %get3A_22 = arith.constant 0 : index
    %get3A_23 = arith.constant 0 : index
    %get3A_24 = vector.load %arg2[%get3A_22, %get3A_23] : memref<1280x64xf32, #tpu.memory_space<vmem>>, vector<1280x64xf32>
    %sub3A = arith.subf %add3A_21, %get3A_24 : vector<1280x64xf32>
    %broadcast_in_dim3A = vector.shape_cast %rsqrt3A : vector<1280xf32> to vector<1280x1xf32>
    %mul3A_25 = vector.broadcast %broadcast_in_dim3A : vector<1280x1xf32> to vector<1280x64xf32>
    %mul3A_26 = arith.mulf %sub3A, %mul3A_25 : vector<1280x64xf32>
    %get3A_27 = arith.constant 0 : index
    %get3A_28 = arith.constant 0 : index
    %get3A_29 = vector.load %arg4[%get3A_27, %get3A_28] : memref<1x64xf32, #tpu.memory_space<vmem>>, vector<1x64xf32>
    %get3A_30 = vector.shape_cast %get3A_29 : vector<1x64xf32> to vector<64xf32>
    %broadcast_in_dim3A_31 = vector.shape_cast %get3A_30 : vector<64xf32> to vector<1x64xf32>
    %add3A_32 = vector.broadcast %broadcast_in_dim3A_31 : vector<1x64xf32> to vector<1280x64xf32>
    %add3A_33 = arith.addf %mul3A_26, %add3A_32 : vector<1280x64xf32>
    %reduce_max3A = arith.constant dense<0xFF800000> : vector<1280xf32>
    %reduce_max3A_34 = vector.multi_reduction <maximumf>, %add3A_33, %reduce_max3A [1] : vector<1280x64xf32> to vector<1280xf32>
    %broadcast_in_dim3A_35 = vector.shape_cast %reduce_max3A_34 : vector<1280xf32> to vector<1280x1xf32>
    %sub3A_36 = vector.broadcast %broadcast_in_dim3A_35 : vector<1280x1xf32> to vector<1280x64xf32>
    %sub3A_37 = arith.subf %add3A_33, %sub3A_36 : vector<1280x64xf32>
    %exp3A = math.exp %sub3A_37 : vector<1280x64xf32>
    %reduce_sum3A = arith.constant dense<0.000000e+00> : vector<1280xf32>
    %reduce_sum3A_38 = vector.multi_reduction <add>, %exp3A, %reduce_sum3A [1] : vector<1280x64xf32> to vector<1280xf32>
    %broadcast_in_dim3A_39 = vector.shape_cast %reduce_sum3A_38 : vector<1280xf32> to vector<1280x1xf32>
    %log3A = math.log %broadcast_in_dim3A_39 : vector<1280x1xf32>
    %sub3A_40 = vector.broadcast %broadcast_in_dim3A_35 : vector<1280x1xf32> to vector<1280x64xf32>
    %sub3A_41 = arith.subf %add3A_33, %sub3A_40 : vector<1280x64xf32>
    %sub3A_42 = vector.broadcast %log3A : vector<1280x1xf32> to vector<1280x64xf32>
    %sub3A_43 = arith.subf %sub3A_41, %sub3A_42 : vector<1280x64xf32>
    %swap3A = arith.constant 0 : index
    %swap3A_44 = arith.constant 0 : index
    %swap3A_45 = vector.load %arg5[%swap3A, %swap3A_44] : memref<1280x64xf32, #tpu.memory_space<vmem>>, vector<1280x64xf32>
    tpu.vector_store %arg5[%swap3A, %swap3A_44], %sub3A_43 {strides = array<i32>} : memref<1280x64xf32, #tpu.memory_space<vmem>>, vector<1280x64xf32>,
    return
  }
  func.func @transform_0(%arg0: i32) -> (i32, i32, i32) {
    %c0_i32 = arith.constant 0 : i32
    %c0_i32_0 = arith.constant 0 : i32
    %c0_i32_1 = arith.constant 0 : i32
    return %c0_i32, %arg0, %c0_i32_0 : i32, i32, i32
  }
  func.func @transform_1(%arg0: i32) -> (i32, i32) {
    %c0_i32 = arith.constant 0 : i32
    %c0_i32_0 = arith.constant 0 : i32
    return %arg0, %c0_i32 : i32, i32
  }
  func.func @transform_2(%arg0: i32) -> (i32, i32) {
    %c0_i32 = arith.constant 0 : i32
    %c0_i32_0 = arith.constant 0 : i32
    %c0_i32_1 = arith.constant 0 : i32
    return %c0_i32, %c0_i32_0 : i32, i32
  }
  func.func @transform_3(%arg0: i32) -> (i32, i32) {
    %c0_i32 = arith.constant 0 : i32
    %c0_i32_0 = arith.constant 0 : i32
    %c0_i32_1 = arith.constant 0 : i32
    return %c0_i32, %c0_i32_0 : i32, i32
  }
  func.func @transform_4(%arg0: i32) -> (i32, i32) {
    %c0_i32 = arith.constant 0 : i32
    %c0_i32_0 = arith.constant 0 : i32
    return %arg0, %c0_i32 : i32, i32
  }
}

</mosaic_0001>

<sc_bundles>
// kernel: kernel.11.cloned.1.call-start
scs
__scs_entry_jumppad:
0x0: {  	(pc) =	sbr.rel $0x88, $3  }
0x1: {  	(tag) =	ssettag $0x0;
	lr =	simm.s32 $0x1  }
0x2: {  	[smem:$0x3F9B] =	sst lr;
	_ =	strace $0xD0000000  }
0x3: {  	_ = 	snop  }
0x4: {  	_ = 	snop  }
0x5: {  	_ = 	snop  }
0x6: {  	_ = 	snop  }
0x7: {  	_ = 	snop  }
__scs_overlays_trampoline_lowered:
0x8: {  	[smem:$0x3FAA] =	sst s0  }
0x9: {  	[smem:$0x3FAB] =	sst s1  }
0xa: {  	[smem:$0x3FAC] =	sst s2  }
0xb: {  	[smem:$0x3FAD] =	sst s3  }
0xc: {  	[smem:$0x3FAE] =	sst s4  }
0xd: {  	[smem:$0x3FAF] =	sst s5  }
0xe: {  	[smem:$0x3FB0] =	sst s6  }
0xf: {  	[smem:$0x3FB1] =	sst s7  }
0x10: {  	[smem:$0x3FB2] =	sst s8  }
0x11: {  	[smem:$0x3FB3] =	sst s9;
	s0 =	simm.s32 @!p0 $0x0  }
0x12: {  	s1 =	sld [smem:$0x3F99];
	s0 =	simm.s32 @p0 $0x1  }
0x13: {  	[smem:$0x3FB4] =	sst s0;
	s0 =	simm.s32 @!p1 $0x0  }
0x14: {  	s2 =	sld [smem:$0x3F98];
	s0 =	simm.s32 @p1 $0x1  }
0x15: {  	[smem:$0x3FB5] =	sst s0;
	s0 =	simm.s32 @!p2 $0x0  }
0x16: {  	s3 =	sld [smem:$0x3FDB];
	s0 =	simm.s32 @p2 $0x1  }
0x17: {  	s4 =	simm.s32 $0x1BF5;
	[smem:$0x3FB7] =	sst s0  }
0x18: {  	s0 =	sld [smem:$0x3F9A];
	_ =	swait.ge [sflag:s4], $0x0  }
0x19: {  	s7 =	sld [smem:$0x3F9B]  }
0x1a: {  	s8 =	sadd.s32 $0xFFFFE003, lr  }
0x1b: {  	s9 =	sadd.s32 $0xFFFFFEF7, lr;
	s5 =	simm.s32 $0xFFFFFFFF;
	p2 =	slt.u32 s8, $0xFFFFF086  }
0x1c: {  	p1 =	slt.u32 s9, $0xF7A;
	s5 =	simm.s32 @!p2 $0x0  }
0x1d: {  	s5 =	simm.s32 @p1 $0x1;
	p0 =	seq.s32 s7, s2  }
0x1e: {  	s7 =	smul.u32 @!p0 $0xF7A, s2;
	p2 =	seq.s32 @!p0 s5, $0x0  }
0x1f: {  	s9 =	smul.u32 $0xF7A, s1;
	s8 =	simm.s32 @!p0 $0x1BF5;
	p2 =	por !p2, p0  }
0x20: {  	[sflag:s8] =	ssyncset.s32 @!p0 $0xFFFFF086;
	s6 =	sadd.s32 @!p0 s3, s7;
	s7 =	simm.s32 @!p0 $0x108  }
0x21: {  	s3 =	sadd.s32 s3, s9;
	s6 =	sadd.s32 @!p0 $0x88, s6;
	s7 =	simm.s32 @p2 $0x1082  }
0x22: {  	[simem:s7], [sflag:s8] =	dma.local @!p0 [hbm:s6], $0xF7A  }
0x23: {  	s9 =	sor.u32 $0xD0000000, s2;
	s6 =	simm.s32 $0x108;
	_ =	swait.ge @!p0 [sflag:s8], $0x0  }
0x24: {  	s3 =	sadd.s32 $0x88, s3;
	s6 =	simm.s32 @!p1 $0x1082;
	[sflag:s4] =	ssyncset.s32 $0xFFFFF086  }
0x25: {  	[simem:s6], [sflag:s4] =	dma.local [hbm:s3], $0xF7A  }
0x26: {  	[smem:$0x3F9B] =	sst s1;
	(tag) =	ssettag s2;
	_ =	strace s9  }
0x27: {  	s1 =	sld [smem:$0x3FAB]  }
0x28: {  	s2 =	sld [smem:$0x3FAC]  }
0x29: {  	s4 =	sld [smem:$0x3FAE]  }
0x2a: {  	p0 =	seq.s32 s5, $0x0;
	s5 =	sld [smem:$0x3FAF]  }
0x2b: {  	s6 =	sld [smem:$0x3FB0]  }
0x2c: {  	s7 =	sld [smem:$0x3FB1]  }
0x2d: {  	s3 =	simm.s32 $0x108;
	s8 =	sld [smem:$0x3FB2]  }
0x2e: {  	s3 =	simm.s32 @!p0 $0x1082;
	s9 =	sld [smem:$0x3FB3]  }
0x2f: {  	lr =	sadd.s32 s0, s3;
	s0 =	sld [smem:$0x3FAA]  }
0x30: {  	s3 =	sld [smem:$0x3FAD]  }
0x31: {  	[smem:$0x3FB6] =	sst s10  }
0x32: {  	s10 =	sld [smem:$0x3FB4];
	_ =	sdelay $0x3  }
0x33: {  	p0 =	seq.s32 s10, $0x1;
	s10 =	sld [smem:$0x3FB6];
	_ =	sdelay $0x3  }
0x34: {  	[smem:$0x3FB6] =	sst s10  }
0x35: {  	s10 =	sld [smem:$0x3FB5];
	_ =	sdelay $0x3  }
0x36: {  	p1 =	seq.s32 s10, $0x1;
	s10 =	sld [smem:$0x3FB6];
	_ =	sdelay $0x3  }
0x37: {  	[smem:$0x3FB6] =	sst s10  }
0x38: {  	s10 =	sld [smem:$0x3FB7]  }
0x39: {  	_ = 	snop;
	(pc) =	sbr.ind lr, $3  }
0x3a: {  	_ = 	snop  }
0x3b: {  	_ = 	snop  }
0x3c: {  	p2 =	seq.s32 s10, $0x1;
	s10 =	sld [smem:$0x3FB6]  }
0x3d: {  	_ =	shalt  }
0x3e: {  	_ =	shalt  }
0x3f: {  	_ =	shalt  }
0x40: {  	_ =	shalt  }
0x41: {  	_ =	shalt  }
0x42: {  	_ =	shalt  }
0x43: {  	_ =	shalt  }
0x44: {  	_ =	shalt  }
0x45: {  	_ =	shalt  }
0x46: {  	_ =	shalt  }
0x47: {  	_ =	shalt  }
0x48: {  	_ =	shalt  }
0x49: {  	_ =	shalt  }
0x4a: {  	_ =	shalt  }
0x4b: {  	_ =	shalt  }
0x4c: {  	_ =	shalt  }
0x4d: {  	_ =	shalt  }
0x4e: {  	_ =	shalt  }
0x4f: {  	_ =	shalt  }
0x50: {  	_ =	shalt  }
0x51: {  	_ =	shalt  }
0x52: {  	_ =	shalt  }
0x53: {  	_ =	shalt  }
0x54: {  	_ =	shalt  }
0x55: {  	_ =	shalt  }
0x56: {  	_ =	shalt  }
0x57: {  	_ =	shalt  }
0x58: {  	_ =	shalt  }
0x59: {  	_ =	shalt  }
0x5a: {  	_ =	shalt  }
0x5b: {  	_ =	shalt  }
0x5c: {  	_ =	shalt  }
0x5d: {  	_ =	shalt  }
0x5e: {  	_ =	shalt  }
0x5f: {  	_ =	shalt  }
0x60: {  	_ =	shalt  }
0x61: {  	_ =	shalt  }
0x62: {  	_ =	shalt  }
0x63: {  	_ =	shalt  }
0x64: {  	_ =	shalt  }
0x65: {  	_ =	shalt  }
0x66: {  	_ =	shalt  }
0x67: {  	_ =	shalt  }
0x68: {  	_ =	shalt  }
0x69: {  	_ =	shalt  }
0x6a: {  	_ =	shalt  }
0x6b: {  	_ =	shalt  }
0x6c: {  	_ =	shalt  }
0x6d: {  	_ =	shalt  }
0x6e: {  	_ =	shalt  }
0x6f: {  	_ =	shalt  }
0x70: {  	_ =	shalt  }
0x71: {  	_ =	shalt  }
0x72: {  	_ =	shalt  }
0x73: {  	_ =	shalt  }
0x74: {  	_ =	shalt  }
0x75: {  	_ =	shalt  }
0x76: {  	_ =	shalt  }
0x77: {  	_ =	shalt  }
0x78: {  	_ =	shalt  }
0x79: {  	_ =	shalt  }
0x7a: {  	_ =	shalt  }
0x7b: {  	_ =	shalt  }
0x7c: {  	_ =	shalt  }
0x7d: {  	_ =	shalt  }
0x7e: {  	_ =	shalt  }
0x7f: {  	_ =	shalt  }
0x80: {  	_ =	shalt  }
0x81: {  	_ =	shalt  }
0x82: {  	_ =	shalt  }
0x83: {  	_ =	shalt  }
0x84: {  	_ =	shalt  }
0x85: {  	_ =	shalt  }
0x86: {  	_ =	shalt  }
0x87: {  	_ =	shalt  }
.Lfunc_end0:
.L_simem_size_0:
called_computation.1_lowered:
.L_overlay_start_0:
0x88: {  	s2 =	sld [smem:$0x3FD9]  }
0x89: {  	s3 =	sld [smem:$0x3FFE];
	_ =	sdelay $0x1  }
0x8a: {  	s1 =	srdreg.scid  }
0x8b: {  	s0 =	sand.u32 $0x1, s1  }
0x8c: {  	s17 =	sshll.u32 s0, $0xA;
	s2 =	sadd.s32 s3, s2  }
0x8d: {  	s2 =	sadd.s32 s2, s17  }
0x8e: {  	[smem:$0x3FC2] =	sst s2  }
0x8f: {  	_ = 	snop  }
0x90: {  	s2 =	sld [smem:$0x3FD0];
	(tm) =	ssettm $0x1  }
0x91: {  	s18 =	sld [smem:$0x3FFB];
	_ =	sdelay $0x3  }
0x92: {  	_ =	strace s18  }
0x93: {  	s3 =	sld [smem:$0x3FFC];
	_ =	sdelay $0x3  }
0x94: {  	_ =	strace s3  }
0x95: {  	s3 =	sld [smem:$0x3FFD];
	_ =	sdelay $0x3  }
0x96: {  	_ =	strace s3  }
0x97: {  	_ =	strace $0x8FFFFFFF  }
0x98: {  	s19 =	sld [smem:$0x3FDB];
	_ =	sdelay $0x1  }
0x99: {  	s4 =	simm.s32 $_scs_section_size  }
0x9a: {  	s5 =	simm.s32 $_size__tile_overlayer_lowered;
	s6 =	simm.s32 $_tile_overlayer_lowered  }
0x9b: {  	s22 =	simm.s32 $0x1BFF;
	s21 =	sshll.u32 s6, $0x1;
	s3 =	sadd.s32 s4, s19  }
0x9c: {  	s7 =	simm.s32 $0x0;
	s20 =	sshll.u32 s5, $0x1;
	s5 =	sadd.s32 s21, s3  }
0x9d: {  	[timem:s7], [sflag:s22] =	dma.local [hbm:s5], s20  }
0x9e: {  	_ =	swait.ge [sflag:s22], s20  }
0x9f: {  	s4 =	ssub.s32 $0x0, s20;
	[sflag:s22] =	ssyncset.done $0x0  }
0xa0: {  	[sflag:s22] =	ssyncadd.s32 s4;
	_ =	sdelay $0x1  }
0xa1: {  	s23 =	simm.s32 $0x1B8B  }
0xa2: {  	_ =	swait.ge [sflag:s23], $0x1  }
0xa3: {  	[sflag:s23] =	ssyncset.done $0x0  }
0xa4: {  	s25 =	simm.s32 $0x1B8E;
	s24 =	sld [smem:$0x3FFE];
	[sflag:s23] =	ssyncadd.s32 $0xFFFFFFFF  }
0xa5: {  	s26 =	simm.s32 $execute0_lowered;
	[smem:$0x3FD2] =	sst s25  }
0xa6: {  	s5 =	sshll.u32 s26, $0x1;
	_ =	strace $0x80000049;
	[dreg:$0x1] =	wrdreg $0xFFFFFFFF  }
0xa7: {  	s28 =	simm.s32 $_size_execute0_lowered;
	s3 =	sadd.s32 s3, s5;
	[dreg:$0x0] =	wrdreg $0x0  }
0xa8: {  	s5 =	sshll.u32 s28, $0x1;
	[dreg:$0x2] =	wrdreg s3  }
0xa9: {  	[dreg:$0x3] =	wrdreg s5  }
0xaa: {  	[dreg:$0x4] =	wrdreg $0xC0  }
0xab: {  	_ =	task [dreg:s7], $0x5FFFF  }
0xac: {  	[dreg:$0x1] =	wrdreg $0xFFFFFFFF  }
0xad: {  	[dreg:$0x0] =	wrdreg $0x60  }
0xae: {  	[dreg:$0x2] =	wrdreg s24  }
0xaf: {  	[dreg:$0x3] =	wrdreg s2  }
0xb0: {  	[dreg:$0x4] =	wrdreg $0xA8000  }
0xb1: {  	[dreg:$0x5] =	wrdreg $0x9  }
0xb2: {  	_ =	task.clear_ibuf [dreg:s7], $0x6FFFF;
	_ =	strace $0x90000049  }
0xb3: {  	s29 =	simm.s32 $0x9;
	_ =	strace $0x8000004B  }
0xb4: {  	_ =	swait.ge [sflag:s29], $0x1  }
0xb5: {  	[sflag:s29] =	ssyncadd.s32 $0xFFFFFFFF  }
0xb6: {  	_ =	strace $0x9000004B  }
0xb7: {  	_ =	sfence  }
0xb8: {  	s30 =	sld [smem:$0x0];
	_ =	sdelay $0x2  }
0xb9: {  	s31 =	sshll.u32 s1, $0xD;
	s1 =	sshrl.u32 s1, $0x2  }
0xba: {  	s3 =	sand.u32 $0x4000, s31;
	s1 =	sadd.s32 s1, s30  }
0xbb: {  	s0 =	sor.u32 s3, s0;
	s1 =	sshll.u32 s1, $0x11  }
0xbc: {  	s0 =	sor.u32 s1, s0  }
0xbd: {  	s0 =	sadd.s32 $0x8F2B, s0  }
0xbe: {  	[sflag:s0] =	ssyncadd.remote.s32 $0x1  }
0xbf: {  	_ =	sfence.sel $0xFFFF  }
0xc0: {  	[dreg:$0x0] =	wrdreg $0xFFFFFFFF;
	(pc) =	sbr.abs _section_cstart, $3  }
0xc1: {  	[dreg:$0x1] =	wrdreg $0xFFFFFFFF  }
0xc2: {  	_ =	task.clear_ibuf [dreg:s7], $0x2FFFF;
	_ =	strace $0x9FFFFFFF  }
0xc3: {  	(tm) =	ssettm $0x7FFFFFFF  }
tec
execute0_lowered:
.L_overlay_start_1:
0x0: {  	(tag) =	ssettag $0x1  }
0x1: {  	s5 =	rddreg [dreg:$0x0]  }
0x2: {  	s10 =	rddreg [dreg:$0x1]  }
0x3: {  	s2 =	rddreg [dreg:$0x2]  }
0x4: {  	s0 =	rddreg [dreg:$0x3];
	s4 =	srdreg.scid  }
0x5: {  	s1 =	stileid.u32;
	s3 =	simm.s32 $0x0;
	s16 =	simm.s32 $0x80  }
0x6: {  	s17 =	simm.s32 $0x2800;
	s18 =	simm.s32 $0x6800;
	s19 =	simm.s32 $0x1  }
0x7: {  	s20 =	simm.s32 $0x2;
	s21 =	simm.s32 $0x1380;
	s22 =	simm.s32 $0x2700  }
0x8: {  	s23 =	simm.s32 $0x2780;
	s24 =	simm.s32 $0x0;
	s6 =	sand.u32 $0x1, s4  }
0x9: {  	s7 =	smul.u32 $0x14000, s1;
	[smem:$0x7FF] =	sst s3;
	s4 =	sadd.s32 $0xCC00, s5  }
0xa: {  	s9 =	sadd.s32 $0x2C00, s5;
	s11 =	smul.u32 $0x50000, s1;
	s29 =	sshll.u32 s1, $0x6  }
0xb: {  	s8 =	smul.u32 $0x140000, s6;
	s12 =	sshll.u32 s6, $0x4;
	s6 =	ssub.s32 $0x2, s6  }
0xc: {  	_ =	strace $0x8000004A;
	s12 =	sor.u32 s1, s12;
	s13 =	sshrl.u32 s6, $0x1  }
0xd: {  	s11 =	sshrl.u32 s11, $0x2;
	s28 =	sshrl.u32 s7, $0x3;
	s8 =	sadd.s32 s7, s8  }
0xe: {  	s12 =	smul.u32 $0x2800, s12;
	s13 =	ssub.s32 s6, s13;
	s8 =	sshrl.u32 s8, $0x3  }
0xf: {  	s15 =	sadd.s32 s11, s2;
	s6 =	sor.u32 $0x1C03, s29;
	s14 =	sadd.s32 s8, s5  }
0x10: {  	s30 =	sshrl.u32 s12, $0x3;
	s5 =	sadd.s32 s4, s28;
	s12 =	smax.u32 s13, $0x1  }
0x11: {  	s13 =	sshrl.u32 s15, $0x3;
	s15 =	simm.s32 $0x1400;
	s31 =	sadd.s32 $0x280, s30  }
0x12: {  	s7 =	sadd.s32 s9, s30;
	s8 =	sadd.s32 s10, s30;
	s11 =	sadd.s32 $0x34C00, s14  }
0x13: {  	s14 =	simm.s32 $0x3;
	s9 =	sadd.s32 s9, s31;
	s10 =	sadd.s32 s10, s31  }
.LBB2_1:
0x14: {  	[spmem:s13], [sflag:s6] =	dma.local [hbm:s5], $0x2800  }
0x15: {  	_ =	swait.ge [sflag:s14], $0x2800  }
0x16: {  	[sflag:s14] =	ssyncset.done $0x0  }
0x17: {  	[sflag:s14] =	ssyncadd.s32 $0xFFFFD800  }
0x18: {  	[bflag:$0x0] =	sbarrier.arrive $0xFFFF  }
0x19: {  	[tilespmem:s3], [sflag:$0x3] =	stream.linear.gather [hbm4b:s7+s3], $0x1400, $0x38;
	[tilespmem:$0x1E800] =	vst v63  }
0x1a: {  	_ =	swait.ge [sflag:s14], $0x1400  }
0x1b: {  	[sflag:s14] =	ssyncset.done $0x0  }
0x1c: {  	[sflag:s14] =	ssyncadd.s32 $0xFFFFEC00  }
0x1d: {  	[tilespmem:s15], [sflag:$0x3] =	stream.linear.gather [hbm4b:s8+s3], $0x1400, $0x38;
	[tilespmem:$0x1E800] =	vst v63  }
0x1e: {  	_ =	swait.ge [sflag:s14], $0x1400  }
0x1f: {  	[sflag:s14] =	ssyncset.done $0x0  }
0x20: {  	[sflag:s14] =	ssyncadd.s32 $0xFFFFEC00  }
0x21: {  	[tilespmem:s17], [sflag:$0x1] =	stream.indirect.gather [hbm4b:s4+s16], $0x80, s3, s16, $0xb8;
	[tilespmem:$0x1E800] =	vst v63  }
0x22: {  	s25 =	simm.s32 $0x80  }
0x23: {  	[tilespmem:s18], [sflag:$0x2] =	stream.indirect.gather [hbm4b:s4+s16], $0x80, s25, s16, $0xb8;
	[tilespmem:$0x1E800] =	vst v63  }
0x24: {  	_ =	swait.ge [sflag:s19], $0x4000  }
0x25: {  	[sflag:s19] =	ssyncset.done $0x0  }
0x26: {  	s29 =	simm.s32 $0x1400;
	[sflag:s19] =	ssyncadd.s32 $0xFFFFC000  }
0x27: {  	[spmem:s2] =	stream.indirect.scatter.add.f32 [tilespmem:s17], [sflag:$0x3], $0x80, s29, s16, $0xb8;
	[tilespmem:$0x1E800] =	vst v63  }
0x28: {  	_ =	swait.ge [sflag:s14], $0x4000  }
0x29: {  	[sflag:s14] =	ssyncset.done $0x0  }
0x2a: {  	s30 =	simm.s32 $0x100;
	[sflag:s14] =	ssyncadd.s32 $0xFFFFC000  }
0x2b: {  	[tilespmem:s17], [sflag:$0x1] =	stream.indirect.gather [hbm4b:s4+s16], $0x80, s30, s16, $0xb8;
	[tilespmem:$0x1E800] =	vst v63  }
0x2c: {  	_ =	swait.ge [sflag:s20], $0x4000  }
0x2d: {  	[sflag:s20] =	ssyncset.done $0x0  }
0x2e: {  	s31 =	simm.s32 $0x1480;
	[sflag:s20] =	ssyncadd.s32 $0xFFFFC000  }
0x2f: {  	[spmem:s2] =	stream.indirect.scatter.add.f32 [tilespmem:s18], [sflag:$0x3], $0x80, s31, s16, $0xb8;
	[tilespmem:$0x1E800] =	vst v63  }
0x30: {  	_ =	swait.ge [sflag:s14], $0x4000  }
0x31: {  	s26 =	simm.s32 $0x800;
	s25 =	simm.s32 $0x100;
	[sflag:s14] =	ssyncset.done $0x0  }
.LBB2_2:
0x32: {  	s28 =	sadd.s32 $0x80, s25  }
0x33: {  	[sflag:s14] =	ssyncadd.s32 $0xFFFFC000;
	s29 =	smov.u32 s26;
	s30 =	sadd.s32 $0x400, s26  }
0x34: {  	[tilespmem:s18], [sflag:$0x2] =	stream.indirect.gather [hbm4b:s4+s16], $0x80, s28, s16, $0xb8;
	[tilespmem:$0x1E800] =	vst v63  }
0x35: {  	p0 =	sne.s32 s26, $0x4800;
	_ =	swait.ge [sflag:s19], $0x4000  }
0x36: {  	[sflag:s19] =	ssyncset.done $0x0  }
0x37: {  	s26 =	sadd.s32 $0x1400, s25;
	[sflag:s19] =	ssyncadd.s32 $0xFFFFC000  }
0x38: {  	[spmem:s2] =	stream.indirect.scatter.add.f32 [tilespmem:s17], [sflag:$0x3], $0x80, s26, s16, $0xb8;
	[tilespmem:$0x1E800] =	vst v63  }
0x39: {  	_ =	swait.ge [sflag:s14], $0x4000  }
0x3a: {  	[sflag:s14] =	ssyncset.done $0x0  }
0x3b: {  	s26 =	sadd.s32 $0x100, s25;
	[sflag:s14] =	ssyncadd.s32 $0xFFFFC000  }
0x3c: {  	[tilespmem:s17], [sflag:$0x1] =	stream.indirect.gather [hbm4b:s4+s16], $0x80, s26, s16, $0xb8;
	[tilespmem:$0x1E800] =	vst v63  }
0x3d: {  	_ =	swait.ge [sflag:s20], $0x4000  }
.Ltmp0:
0x3e: {  	[sflag:s20] =	ssyncset.done $0x0;
	(pc) =	sbr.rel @p0 .LBB2_2-.Ltmp0, $4  }
0x3f: {  	s25 =	sadd.s32 $0x1480, s25;
	[sflag:s20] =	ssyncadd.s32 $0xFFFFC000  }
0x40: {  	[spmem:s2] =	stream.indirect.scatter.add.f32 [tilespmem:s18], [sflag:$0x3], $0x80, s25, s16, $0xb8;
	[tilespmem:$0x1E800] =	vst v63  }
0x41: {  	_ =	swait.ge [sflag:s14], $0x4000  }
0x42: {  	s26 =	smov.u32 s30;
	s25 =	sshra.s32 s29, $0x2;
	[sflag:s14] =	ssyncset.done $0x0  }
0x43: {  	s26 =	sadd.s32 $0x80, s25;
	[sflag:s14] =	ssyncadd.s32 $0xFFFFC000  }
0x44: {  	[tilespmem:s18], [sflag:$0x2] =	stream.indirect.gather [hbm4b:s4+s16], $0x80, s26, s16, $0xb8;
	[tilespmem:$0x1E800] =	vst v63  }
0x45: {  	_ =	swait.ge [sflag:s19], $0x4000  }
0x46: {  	[sflag:s19] =	ssyncset.done $0x0  }
0x47: {  	s29 =	sadd.s32 $0x1400, s25;
	[sflag:s19] =	ssyncadd.s32 $0xFFFFC000  }
0x48: {  	[spmem:s2] =	stream.indirect.scatter.add.f32 [tilespmem:s17], [sflag:$0x3], $0x80, s29, s16, $0xb8;
	[tilespmem:$0x1E800] =	vst v63  }
0x49: {  	_ =	swait.ge [sflag:s14], $0x4000  }
0x4a: {  	[sflag:s14] =	ssyncset.done $0x0  }
0x4b: {  	s30 =	sadd.s32 $0x100, s25;
	[sflag:s14] =	ssyncadd.s32 $0xFFFFC000  }
0x4c: {  	[tilespmem:s17], [sflag:$0x1] =	stream.indirect.gather [hbm4b:s4+s16], $0x80, s30, s16, $0xb8;
	[tilespmem:$0x1E800] =	vst v63  }
0x4d: {  	_ =	swait.ge [sflag:s20], $0x4000  }
0x4e: {  	[sflag:s20] =	ssyncset.done $0x0  }
0x4f: {  	s31 =	sadd.s32 $0x1480, s25;
	[sflag:s20] =	ssyncadd.s32 $0xFFFFC000  }
0x50: {  	[spmem:s2] =	stream.indirect.scatter.add.f32 [tilespmem:s18], [sflag:$0x3], $0x80, s31, s16, $0xb8;
	[tilespmem:$0x1E800] =	vst v63  }
0x51: {  	_ =	swait.ge [sflag:s14], $0x4000  }
0x52: {  	[sflag:s14] =	ssyncset.done $0x0  }
0x53: {  	[sflag:s14] =	ssyncadd.s32 $0xFFFFC000  }
0x54: {  	[tilespmem:s18], [sflag:$0x2] =	stream.indirect.gather [hbm4b:s4+s16], $0x80, s21, s16, $0xb8;
	[tilespmem:$0x1E800] =	vst v63  }
0x55: {  	_ =	swait.ge [sflag:s19], $0x4000  }
0x56: {  	[sflag:s19] =	ssyncset.done $0x0  }
0x57: {  	[sflag:s19] =	ssyncadd.s32 $0xFFFFC000  }
0x58: {  	[spmem:s2] =	stream.indirect.scatter.add.f32 [tilespmem:s17], [sflag:$0x3], $0x80, s22, s16, $0xb8;
	[tilespmem:$0x1E800] =	vst v63  }
0x59: {  	_ =	swait.ge [sflag:s14], $0x4000  }
0x5a: {  	[sflag:s14] =	ssyncset.done $0x0  }
0x5b: {  	[sflag:s14] =	ssyncadd.s32 $0xFFFFC000  }
0x5c: {  	_ =	swait.ge [sflag:s20], $0x4000  }
0x5d: {  	[sflag:s20] =	ssyncset.done $0x0  }
0x5e: {  	[sflag:s20] =	ssyncadd.s32 $0xFFFFC000  }
0x5f: {  	[spmem:s2] =	stream.indirect.scatter.add.f32 [tilespmem:s18], [sflag:$0x3], $0x80, s23, s16, $0xb8;
	[tilespmem:$0x1E800] =	vst v63  }
0x60: {  	_ =	swait.ge [sflag:s14], $0x4000  }
0x61: {  	[sflag:s14] =	ssyncset.done $0x0  }
0x62: {  	s26 =	simm.s32 $0x0;
	[sflag:s14] =	ssyncadd.s32 $0xFFFFC000  }
0x63: {  	[tilespmem:s26], [sflag:$0x3] =	stream.linear.gather [hbm4b:s9+s26], $0x1400, $0x38;
	[tilespmem:$0x1E800] =	vst v63  }
0x64: {  	_ =	swait.ge [sflag:s14], $0x1400  }
0x65: {  	[sflag:s14] =	ssyncset.done $0x0  }
0x66: {  	[sflag:s14] =	ssyncadd.s32 $0xFFFFEC00  }
0x67: {  	[tilespmem:s15], [sflag:$0x3] =	stream.linear.gather [hbm4b:s10+s26], $0x1400, $0x38;
	[tilespmem:$0x1E800] =	vst v63  }
0x68: {  	_ =	swait.ge [sflag:s14], $0x1400  }
0x69: {  	[sflag:s14] =	ssyncset.done $0x0  }
0x6a: {  	[sflag:s14] =	ssyncadd.s32 $0xFFFFEC00  }
0x6b: {  	[tilespmem:s17], [sflag:$0x1] =	stream.indirect.gather [hbm4b:s4+s16], $0x80, s26, s16, $0xb8;
	[tilespmem:$0x1E800] =	vst v63  }
0x6c: {  	s28 =	simm.s32 $0x80  }
0x6d: {  	[tilespmem:s18], [sflag:$0x2] =	stream.indirect.gather [hbm4b:s4+s16], $0x80, s28, s16, $0xb8;
	[tilespmem:$0x1E800] =	vst v63  }
0x6e: {  	_ =	swait.ge [sflag:s19], $0x4000  }
0x6f: {  	[sflag:s19] =	ssyncset.done $0x0  }
0x70: {  	s29 =	simm.s32 $0x1400;
	[sflag:s19] =	ssyncadd.s32 $0xFFFFC000  }
0x71: {  	[spmem:s2] =	stream.indirect.scatter.add.f32 [tilespmem:s17], [sflag:$0x3], $0x80, s29, s16, $0xb8;
	[tilespmem:$0x1E800] =	vst v63  }
0x72: {  	_ =	swait.ge [sflag:s14], $0x4000  }
0x73: {  	[sflag:s14] =	ssyncset.done $0x0  }
0x74: {  	s30 =	simm.s32 $0x100;
	[sflag:s14] =	ssyncadd.s32 $0xFFFFC000  }
0x75: {  	[tilespmem:s17], [sflag:$0x1] =	stream.indirect.gather [hbm4b:s4+s16], $0x80, s30, s16, $0xb8;
	[tilespmem:$0x1E800] =	vst v63  }
0x76: {  	_ =	swait.ge [sflag:s20], $0x4000  }
0x77: {  	[sflag:s20] =	ssyncset.done $0x0  }
0x78: {  	s31 =	simm.s32 $0x1480;
	[sflag:s20] =	ssyncadd.s32 $0xFFFFC000  }
0x79: {  	[spmem:s2] =	stream.indirect.scatter.add.f32 [tilespmem:s18], [sflag:$0x3], $0x80, s31, s16, $0xb8;
	[tilespmem:$0x1E800] =	vst v63  }
0x7a: {  	_ =	swait.ge [sflag:s14], $0x4000  }
0x7b: {  	s25 =	simm.s32 $0x100;
	s26 =	simm.s32 $0x800;
	[sflag:s14] =	ssyncset.done $0x0  }
.LBB2_4:
0x7c: {  	s28 =	sadd.s32 $0x80, s25  }
0x7d: {  	[sflag:s14] =	ssyncadd.s32 $0xFFFFC000;
	s29 =	smov.u32 s26;
	s30 =	sadd.s32 $0x400, s26  }
0x7e: {  	[tilespmem:s18], [sflag:$0x2] =	stream.indirect.gather [hbm4b:s4+s16], $0x80, s28, s16, $0xb8;
	[tilespmem:$0x1E800] =	vst v63  }
0x7f: {  	p0 =	sne.s32 s26, $0x4800;
	_ =	swait.ge [sflag:s19], $0x4000  }
0x80: {  	[sflag:s19] =	ssyncset.done $0x0  }
0x81: {  	s26 =	sadd.s32 $0x1400, s25;
	[sflag:s19] =	ssyncadd.s32 $0xFFFFC000  }
0x82: {  	[spmem:s2] =	stream.indirect.scatter.add.f32 [tilespmem:s17], [sflag:$0x3], $0x80, s26, s16, $0xb8;
	[tilespmem:$0x1E800] =	vst v63  }
0x83: {  	_ =	swait.ge [sflag:s14], $0x4000  }
0x84: {  	[sflag:s14] =	ssyncset.done $0x0  }
0x85: {  	s26 =	sadd.s32 $0x100, s25;
	[sflag:s14] =	ssyncadd.s32 $0xFFFFC000  }
0x86: {  	[tilespmem:s17], [sflag:$0x1] =	stream.indirect.gather [hbm4b:s4+s16], $0x80, s26, s16, $0xb8;
	[tilespmem:$0x1E800] =	vst v63  }
0x87: {  	_ =	swait.ge [sflag:s20], $0x4000  }
.Ltmp1:
0x88: {  	[sflag:s20] =	ssyncset.done $0x0;
	(pc) =	sbr.rel @p0 .LBB2_4-.Ltmp1, $4  }
0x89: {  	s25 =	sadd.s32 $0x1480, s25;
	[sflag:s20] =	ssyncadd.s32 $0xFFFFC000  }
0x8a: {  	[spmem:s2] =	stream.indirect.scatter.add.f32 [tilespmem:s18], [sflag:$0x3], $0x80, s25, s16, $0xb8;
	[tilespmem:$0x1E800] =	vst v63  }
0x8b: {  	_ =	swait.ge [sflag:s14], $0x4000  }
0x8c: {  	s26 =	smov.u32 s30;
	s25 =	sshra.s32 s29, $0x2;
	[sflag:s14] =	ssyncset.done $0x0  }
0x8d: {  	s26 =	sadd.s32 $0x80, s25;
	[sflag:s14] =	ssyncadd.s32 $0xFFFFC000  }
0x8e: {  	[tilespmem:s18], [sflag:$0x2] =	stream.indirect.gather [hbm4b:s4+s16], $0x80, s26, s16, $0xb8;
	[tilespmem:$0x1E800] =	vst v63  }
0x8f: {  	_ =	swait.ge [sflag:s19], $0x4000  }
0x90: {  	[sflag:s19] =	ssyncset.done $0x0  }
0x91: {  	s29 =	sadd.s32 $0x1400, s25;
	[sflag:s19] =	ssyncadd.s32 $0xFFFFC000  }
0x92: {  	[spmem:s2] =	stream.indirect.scatter.add.f32 [tilespmem:s17], [sflag:$0x3], $0x80, s29, s16, $0xb8;
	[tilespmem:$0x1E800] =	vst v63  }
0x93: {  	_ =	swait.ge [sflag:s14], $0x4000  }
0x94: {  	[sflag:s14] =	ssyncset.done $0x0  }
0x95: {  	s30 =	sadd.s32 $0x100, s25;
	[sflag:s14] =	ssyncadd.s32 $0xFFFFC000  }
0x96: {  	[tilespmem:s17], [sflag:$0x1] =	stream.indirect.gather [hbm4b:s4+s16], $0x80, s30, s16, $0xb8;
	[tilespmem:$0x1E800] =	vst v63  }
0x97: {  	_ =	swait.ge [sflag:s20], $0x4000  }
0x98: {  	[sflag:s20] =	ssyncset.done $0x0  }
0x99: {  	s31 =	sadd.s32 $0x1480, s25;
	[sflag:s20] =	ssyncadd.s32 $0xFFFFC000  }
0x9a: {  	[spmem:s2] =	stream.indirect.scatter.add.f32 [tilespmem:s18], [sflag:$0x3], $0x80, s31, s16, $0xb8;
	[tilespmem:$0x1E800] =	vst v63  }
0x9b: {  	_ =	swait.ge [sflag:s14], $0x4000  }
0x9c: {  	[sflag:s14] =	ssyncset.done $0x0  }
0x9d: {  	[sflag:s14] =	ssyncadd.s32 $0xFFFFC000  }
0x9e: {  	[tilespmem:s18], [sflag:$0x2] =	stream.indirect.gather [hbm4b:s4+s16], $0x80, s21, s16, $0xb8;
	[tilespmem:$0x1E800] =	vst v63  }
0x9f: {  	_ =	swait.ge [sflag:s19], $0x4000  }
0xa0: {  	[sflag:s19] =	ssyncset.done $0x0  }
0xa1: {  	[sflag:s19] =	ssyncadd.s32 $0xFFFFC000  }
0xa2: {  	[spmem:s2] =	stream.indirect.scatter.add.f32 [tilespmem:s17], [sflag:$0x3], $0x80, s22, s16, $0xb8;
	[tilespmem:$0x1E800] =	vst v63  }
0xa3: {  	_ =	swait.ge [sflag:s14], $0x4000  }
0xa4: {  	[sflag:s14] =	ssyncset.done $0x0  }
0xa5: {  	[sflag:s14] =	ssyncadd.s32 $0xFFFFC000  }
0xa6: {  	_ =	swait.ge [sflag:s20], $0x4000  }
0xa7: {  	[sflag:s20] =	ssyncset.done $0x0  }
0xa8: {  	[sflag:s20] =	ssyncadd.s32 $0xFFFFC000  }
0xa9: {  	[spmem:s2] =	stream.indirect.scatter.add.f32 [tilespmem:s18], [sflag:$0x3], $0x80, s23, s16, $0xb8;
	[tilespmem:$0x1E800] =	vst v63  }
0xaa: {  	_ =	swait.ge [sflag:s14], $0x4000  }
0xab: {  	s24 =	sadd.s32 $0x1, s24;
	[sflag:s14] =	ssyncset.done $0x0  }
0xac: {  	p0 =	sne.s32 s24, s12;
	[sflag:s14] =	ssyncadd.s32 $0xFFFFC000  }
.Ltmp2:
0xad: {  	[bflag:$0x0] =	sbarrier.arrive $0xFFFF;
	(pc) =	sbr.rel @p0 .LBB2_1-.Ltmp2, $4  }
0xae: {  	[hbm:s11], [sflag:s6] =	dma.local [spmem:s13], $0x2800  }
0xaf: {  	_ =	swait.ge [sflag:s14], $0x2800  }
0xb0: {  	[sflag:s14] =	ssyncset.done $0x0  }
0xb1: {  	[sflag:s14] =	ssyncadd.s32 $0xFFFFD800  }
0xb2: {  	_ =	sfence.sel $0x180000  }
0xb3: {  	[bflag:$0x0] =	sbarrier.arrive $0xFFFF  }
0xb4: {  	p0 =	sne.s32 s1, $0x0;
	_ =	strace $0x9000004A  }
0xb5: {  	s0 =	sadd.s32 @!p0 $0x100000, s0;
	[bflag:$0x2] =	sbarrier.arrive $0xFFFF  }
0xb6: {  	[sflag:s0] =	ssyncadd.tile.s32 @!p0 $0x1;
	_ =	shalt  }
.Lfunc_end2:
_tile_overlayer_lowered:
.L_overlay_start_2:
0xb7: {  	(tag) =	ssettag $0x2  }
0xb8: {  	s0 =	rddreg [dreg:$0x0];
	s2 =	stileid.u32  }
0xb9: {  	s1 =	rddreg [dreg:$0x1];
	p0 =	sne.s32 s2, $0x0  }
0xba: {  	s3 =	rddreg [dreg:$0x2];
	[bflag:$0x3] =	sbarrier.arrive $0xFFFF;
	s2 =	simm.s32 @!p0 $0x1C03  }
0xbb: {  	[timem:s3], [sflag:s2] =	dma.local @!p0 [hbm:s0], s1  }
0xbc: {  	s0 =	simm.s32 @!p0 $0x3  }
0xbd: {  	_ =	swait.ge @!p0 [sflag:s0], s1  }
0xbe: {  	s1 =	ssub.s32 @!p0 $0x0, s1;
	[sflag:s0] =	ssyncset.done @!p0 $0x0  }
0xbf: {  	[sflag:s0] =	ssyncadd.s32 @!p0 s1  }
0xc0: {  	[bflag:$0x3] =	sbarrier.arrive $0xFFFF  }
0xc1: {  	_ =	shalt  }

// kernel: kernel.14.cloned.1.call-start
scs
__scs_entry_jumppad:
0x0: {  	(pc) =	sbr.rel $0x88, $3  }
0x1: {  	(tag) =	ssettag $0x0;
	lr =	simm.s32 $0x1  }
0x2: {  	[smem:$0x3F9B] =	sst lr;
	_ =	strace $0xD0000000  }
0x3: {  	_ = 	snop  }
0x4: {  	_ = 	snop  }
0x5: {  	_ = 	snop  }
0x6: {  	_ = 	snop  }
0x7: {  	_ = 	snop  }
__scs_overlays_trampoline_lowered:
0x8: {  	[smem:$0x3FAA] =	sst s0  }
0x9: {  	[smem:$0x3FAB] =	sst s1  }
0xa: {  	[smem:$0x3FAC] =	sst s2  }
0xb: {  	[smem:$0x3FAD] =	sst s3  }
0xc: {  	[smem:$0x3FAE] =	sst s4  }
0xd: {  	[smem:$0x3FAF] =	sst s5  }
0xe: {  	[smem:$0x3FB0] =	sst s6  }
0xf: {  	[smem:$0x3FB1] =	sst s7  }
0x10: {  	[smem:$0x3FB2] =	sst s8  }
0x11: {  	[smem:$0x3FB3] =	sst s9;
	s0 =	simm.s32 @!p0 $0x0  }
0x12: {  	s1 =	sld [smem:$0x3F99];
	s0 =	simm.s32 @p0 $0x1  }
0x13: {  	[smem:$0x3FB4] =	sst s0;
	s0 =	simm.s32 @!p1 $0x0  }
0x14: {  	s2 =	sld [smem:$0x3F98];
	s0 =	simm.s32 @p1 $0x1  }
0x15: {  	[smem:$0x3FB5] =	sst s0;
	s0 =	simm.s32 @!p2 $0x0  }
0x16: {  	s3 =	sld [smem:$0x3FDB];
	s0 =	simm.s32 @p2 $0x1  }
0x17: {  	s4 =	simm.s32 $0x1BF5;
	[smem:$0x3FB7] =	sst s0  }
0x18: {  	s0 =	sld [smem:$0x3F9A];
	_ =	swait.ge [sflag:s4], $0x0  }
0x19: {  	s7 =	sld [smem:$0x3F9B]  }
0x1a: {  	s8 =	sadd.s32 $0xFFFFE003, lr  }
0x1b: {  	s9 =	sadd.s32 $0xFFFFFEF7, lr;
	s5 =	simm.s32 $0xFFFFFFFF;
	p2 =	slt.u32 s8, $0xFFFFF086  }
0x1c: {  	p1 =	slt.u32 s9, $0xF7A;
	s5 =	simm.s32 @!p2 $0x0  }
0x1d: {  	s5 =	simm.s32 @p1 $0x1;
	p0 =	seq.s32 s7, s2  }
0x1e: {  	s7 =	smul.u32 @!p0 $0xF7A, s2;
	p2 =	seq.s32 @!p0 s5, $0x0  }
0x1f: {  	s9 =	smul.u32 $0xF7A, s1;
	s8 =	simm.s32 @!p0 $0x1BF5;
	p2 =	por !p2, p0  }
0x20: {  	[sflag:s8] =	ssyncset.s32 @!p0 $0xFFFFF086;
	s6 =	sadd.s32 @!p0 s3, s7;
	s7 =	simm.s32 @!p0 $0x108  }
0x21: {  	s3 =	sadd.s32 s3, s9;
	s6 =	sadd.s32 @!p0 $0x88, s6;
	s7 =	simm.s32 @p2 $0x1082  }
0x22: {  	[simem:s7], [sflag:s8] =	dma.local @!p0 [hbm:s6], $0xF7A  }
0x23: {  	s9 =	sor.u32 $0xD0000000, s2;
	s6 =	simm.s32 $0x108;
	_ =	swait.ge @!p0 [sflag:s8], $0x0  }
0x24: {  	s3 =	sadd.s32 $0x88, s3;
	s6 =	simm.s32 @!p1 $0x1082;
	[sflag:s4] =	ssyncset.s32 $0xFFFFF086  }
0x25: {  	[simem:s6], [sflag:s4] =	dma.local [hbm:s3], $0xF7A  }
0x26: {  	[smem:$0x3F9B] =	sst s1;
	(tag) =	ssettag s2;
	_ =	strace s9  }
0x27: {  	s1 =	sld [smem:$0x3FAB]  }
0x28: {  	s2 =	sld [smem:$0x3FAC]  }
0x29: {  	s4 =	sld [smem:$0x3FAE]  }
0x2a: {  	p0 =	seq.s32 s5, $0x0;
	s5 =	sld [smem:$0x3FAF]  }
0x2b: {  	s6 =	sld [smem:$0x3FB0]  }
0x2c: {  	s7 =	sld [smem:$0x3FB1]  }
0x2d: {  	s3 =	simm.s32 $0x108;
	s8 =	sld [smem:$0x3FB2]  }
0x2e: {  	s3 =	simm.s32 @!p0 $0x1082;
	s9 =	sld [smem:$0x3FB3]  }
0x2f: {  	lr =	sadd.s32 s0, s3;
	s0 =	sld [smem:$0x3FAA]  }
0x30: {  	s3 =	sld [smem:$0x3FAD]  }
0x31: {  	[smem:$0x3FB6] =	sst s10  }
0x32: {  	s10 =	sld [smem:$0x3FB4];
	_ =	sdelay $0x3  }
0x33: {  	p0 =	seq.s32 s10, $0x1;
	s10 =	sld [smem:$0x3FB6];
	_ =	sdelay $0x3  }
0x34: {  	[smem:$0x3FB6] =	sst s10  }
0x35: {  	s10 =	sld [smem:$0x3FB5];
	_ =	sdelay $0x3  }
0x36: {  	p1 =	seq.s32 s10, $0x1;
	s10 =	sld [smem:$0x3FB6];
	_ =	sdelay $0x3  }
0x37: {  	[smem:$0x3FB6] =	sst s10  }
0x38: {  	s10 =	sld [smem:$0x3FB7]  }
0x39: {  	_ = 	snop;
	(pc) =	sbr.ind lr, $3  }
0x3a: {  	_ = 	snop  }
0x3b: {  	_ = 	snop  }
0x3c: {  	p2 =	seq.s32 s10, $0x1;
	s10 =	sld [smem:$0x3FB6]  }
0x3d: {  	_ =	shalt  }
0x3e: {  	_ =	shalt  }
0x3f: {  	_ =	shalt  }
0x40: {  	_ =	shalt  }
0x41: {  	_ =	shalt  }
0x42: {  	_ =	shalt  }
0x43: {  	_ =	shalt  }
0x44: {  	_ =	shalt  }
0x45: {  	_ =	shalt  }
0x46: {  	_ =	shalt  }
0x47: {  	_ =	shalt  }
0x48: {  	_ =	shalt  }
0x49: {  	_ =	shalt  }
0x4a: {  	_ =	shalt  }
0x4b: {  	_ =	shalt  }
0x4c: {  	_ =	shalt  }
0x4d: {  	_ =	shalt  }
0x4e: {  	_ =	shalt  }
0x4f: {  	_ =	shalt  }
0x50: {  	_ =	shalt  }
0x51: {  	_ =	shalt  }
0x52: {  	_ =	shalt  }
0x53: {  	_ =	shalt  }
0x54: {  	_ =	shalt  }
0x55: {  	_ =	shalt  }
0x56: {  	_ =	shalt  }
0x57: {  	_ =	shalt  }
0x58: {  	_ =	shalt  }
0x59: {  	_ =	shalt  }
0x5a: {  	_ =	shalt  }
0x5b: {  	_ =	shalt  }
0x5c: {  	_ =	shalt  }
0x5d: {  	_ =	shalt  }
0x5e: {  	_ =	shalt  }
0x5f: {  	_ =	shalt  }
0x60: {  	_ =	shalt  }
0x61: {  	_ =	shalt  }
0x62: {  	_ =	shalt  }
0x63: {  	_ =	shalt  }
0x64: {  	_ =	shalt  }
0x65: {  	_ =	shalt  }
0x66: {  	_ =	shalt  }
0x67: {  	_ =	shalt  }
0x68: {  	_ =	shalt  }
0x69: {  	_ =	shalt  }
0x6a: {  	_ =	shalt  }
0x6b: {  	_ =	shalt  }
0x6c: {  	_ =	shalt  }
0x6d: {  	_ =	shalt  }
0x6e: {  	_ =	shalt  }
0x6f: {  	_ =	shalt  }
0x70: {  	_ =	shalt  }
0x71: {  	_ =	shalt  }
0x72: {  	_ =	shalt  }
0x73: {  	_ =	shalt  }
0x74: {  	_ =	shalt  }
0x75: {  	_ =	shalt  }
0x76: {  	_ =	shalt  }
0x77: {  	_ =	shalt  }
0x78: {  	_ =	shalt  }
0x79: {  	_ =	shalt  }
0x7a: {  	_ =	shalt  }
0x7b: {  	_ =	shalt  }
0x7c: {  	_ =	shalt  }
0x7d: {  	_ =	shalt  }
0x7e: {  	_ =	shalt  }
0x7f: {  	_ =	shalt  }
0x80: {  	_ =	shalt  }
0x81: {  	_ =	shalt  }
0x82: {  	_ =	shalt  }
0x83: {  	_ =	shalt  }
0x84: {  	_ =	shalt  }
0x85: {  	_ =	shalt  }
0x86: {  	_ =	shalt  }
0x87: {  	_ =	shalt  }
.Lfunc_end0:
.L_simem_size_0:
called_computation.2_lowered:
.L_overlay_start_0:
0x88: {  	s2 =	sld [smem:$0x3FD9]  }
0x89: {  	s3 =	sld [smem:$0x3FFE];
	_ =	sdelay $0x1  }
0x8a: {  	s1 =	srdreg.scid  }
0x8b: {  	s0 =	sand.u32 $0x1, s1  }
0x8c: {  	s16 =	sshll.u32 s0, $0xA;
	s2 =	sadd.s32 s3, s2  }
0x8d: {  	s2 =	sadd.s32 s2, s16  }
0x8e: {  	[smem:$0x3FC2] =	sst s2  }
0x8f: {  	_ = 	snop  }
0x90: {  	(tm) =	ssettm $0x1  }
0x91: {  	s17 =	sld [smem:$0x3FFB];
	_ =	sdelay $0x3  }
0x92: {  	_ =	strace s17  }
0x93: {  	s2 =	sld [smem:$0x3FFC];
	_ =	sdelay $0x3  }
0x94: {  	_ =	strace s2  }
0x95: {  	s2 =	sld [smem:$0x3FFD];
	_ =	sdelay $0x3  }
0x96: {  	_ =	strace s2  }
0x97: {  	_ =	strace $0x8FFFFFFF  }
0x98: {  	s18 =	sld [smem:$0x3FDB];
	_ =	sdelay $0x1  }
0x99: {  	s19 =	simm.s32 $_scs_section_size  }
0x9a: {  	s4 =	simm.s32 $_size__tile_overlayer_lowered;
	s5 =	simm.s32 $_tile_overlayer_lowered  }
0x9b: {  	s22 =	simm.s32 $0x1BFF;
	s21 =	sshll.u32 s5, $0x1;
	s2 =	sadd.s32 s19, s18  }
0x9c: {  	s6 =	simm.s32 $0x0;
	s20 =	sshll.u32 s4, $0x1;
	s4 =	sadd.s32 s21, s2  }
0x9d: {  	[timem:s6], [sflag:s22] =	dma.local [hbm:s4], s20  }
0x9e: {  	_ =	swait.ge [sflag:s22], s20  }
0x9f: {  	s3 =	ssub.s32 $0x0, s20;
	[sflag:s22] =	ssyncset.done $0x0  }
0xa0: {  	[sflag:s22] =	ssyncadd.s32 s3;
	_ =	sdelay $0x1  }
0xa1: {  	s23 =	simm.s32 $0x1B8B  }
0xa2: {  	_ =	swait.ge [sflag:s23], $0x1  }
0xa3: {  	[sflag:s23] =	ssyncset.done $0x0  }
0xa4: {  	s25 =	simm.s32 $0x1B8E;
	s24 =	sld [smem:$0x3FFE];
	[sflag:s23] =	ssyncadd.s32 $0xFFFFFFFF  }
0xa5: {  	s26 =	simm.s32 $execute0_lowered;
	[smem:$0x3FD2] =	sst s25  }
0xa6: {  	s4 =	sshll.u32 s26, $0x1;
	_ =	strace $0x8000004C;
	[dreg:$0x1] =	wrdreg $0xFFFFFFFF  }
0xa7: {  	s28 =	simm.s32 $_size_execute0_lowered;
	s2 =	sadd.s32 s2, s4;
	[dreg:$0x0] =	wrdreg $0x0  }
0xa8: {  	s4 =	sshll.u32 s28, $0x1;
	[dreg:$0x2] =	wrdreg s2  }
0xa9: {  	[dreg:$0x3] =	wrdreg s4  }
0xaa: {  	[dreg:$0x4] =	wrdreg $0xC0  }
0xab: {  	_ =	task [dreg:s6], $0x5FFFF  }
0xac: {  	[dreg:$0x1] =	wrdreg $0xFFFFFFFF  }
0xad: {  	[dreg:$0x0] =	wrdreg $0x60  }
0xae: {  	[dreg:$0x2] =	wrdreg s24  }
0xaf: {  	[dreg:$0x3] =	wrdreg $0x68000  }
0xb0: {  	[dreg:$0x4] =	wrdreg $0x9  }
0xb1: {  	_ =	task.clear_ibuf [dreg:s6], $0x5FFFF;
	_ =	strace $0x9000004C  }
0xb2: {  	s29 =	simm.s32 $0x9;
	_ =	strace $0x8000004E  }
0xb3: {  	_ =	swait.ge [sflag:s29], $0x1  }
0xb4: {  	[sflag:s29] =	ssyncadd.s32 $0xFFFFFFFF  }
0xb5: {  	_ =	strace $0x9000004E  }
0xb6: {  	_ =	sfence  }
0xb7: {  	s30 =	sld [smem:$0x0];
	_ =	sdelay $0x2  }
0xb8: {  	s31 =	sshll.u32 s1, $0xD;
	s1 =	sshrl.u32 s1, $0x2  }
0xb9: {  	s3 =	sand.u32 $0x4000, s31;
	s1 =	sadd.s32 s1, s30  }
0xba: {  	s0 =	sor.u32 s3, s0;
	s1 =	sshll.u32 s1, $0x11  }
0xbb: {  	s0 =	sor.u32 s1, s0  }
0xbc: {  	s0 =	sadd.s32 $0x8F2B, s0  }
0xbd: {  	[sflag:s0] =	ssyncadd.remote.s32 $0x1  }
0xbe: {  	_ =	sfence.sel $0xFFFF  }
0xbf: {  	[dreg:$0x0] =	wrdreg $0xFFFFFFFF;
	(pc) =	sbr.abs _section_cstart, $3  }
0xc0: {  	[dreg:$0x1] =	wrdreg $0xFFFFFFFF  }
0xc1: {  	_ =	task.clear_ibuf [dreg:s6], $0x2FFFF;
	_ =	strace $0x9FFFFFFF  }
0xc2: {  	(tm) =	ssettm $0x7FFFFFFF  }
0xc3: {  	_ =	shalt  }
tec
execute0_lowered:
.L_overlay_start_1:
0x0: {  	(tag) =	ssettag $0x1  }
0x1: {  	s5 =	rddreg [dreg:$0x0]  }
0x2: {  	s2 =	rddreg [dreg:$0x1]  }
0x3: {  	s0 =	rddreg [dreg:$0x2]  }
0x4: {  	s3 =	simm.s32 $0x0;
	s4 =	srdreg.scid;
	s1 =	stileid.u32  }
0x5: {  	s15 =	simm.s32 $0x1400;
	s16 =	simm.s32 $0x80;
	s17 =	simm.s32 $0x2800  }
0x6: {  	s18 =	simm.s32 $0x4800;
	s19 =	simm.s32 $0x1;
	s20 =	simm.s32 $0x2  }
0x7: {  	s21 =	simm.s32 $0x1380;
	s22 =	simm.s32 $0x2700;
	s23 =	simm.s32 $0x2780  }
0x8: {  	s24 =	simm.s32 $0x0;
	[smem:$0x7FF] =	sst s3;
	s6 =	sand.u32 $0x1, s4  }
0x9: {  	s7 =	smul.u32 $0xA000, s1;
	s4 =	sadd.s32 $0x1C00, s5;
	s9 =	sadd.s32 $0x8EC00, s5  }
0xa: {  	s10 =	sadd.s32 $0x84C00, s5;
	s30 =	sshll.u32 s1, $0x6;
	_ =	strace $0x8000004D  }
0xb: {  	s8 =	smul.u32 $0xA0000, s6;
	s11 =	sshll.u32 s6, $0x4;
	s6 =	ssub.s32 $0x2, s6  }
0xc: {  	s11 =	sor.u32 s1, s11;
	s12 =	sshrl.u32 s6, $0x1;
	s14 =	sadd.s32 s7, s2  }
0xd: {  	s29 =	sshrl.u32 s7, $0x3;
	s8 =	sadd.s32 s7, s8;
	s11 =	smul.u32 $0x2800, s11  }
0xe: {  	s12 =	ssub.s32 s6, s12;
	s6 =	sor.u32 $0x1C03, s30;
	s8 =	sshrl.u32 s8, $0x3  }
0xf: {  	s12 =	smax.u32 s12, $0x1;
	s13 =	sadd.s32 s8, s5;
	s31 =	sshrl.u32 s11, $0x3  }
0x10: {  	s5 =	sadd.s32 s4, s29;
	s11 =	sadd.s32 $0x280, s31;
	s7 =	sadd.s32 s9, s31  }
0x11: {  	s8 =	sadd.s32 s10, s31;
	s9 =	sadd.s32 s9, s11;
	s10 =	sadd.s32 s10, s11  }
0x12: {  	s11 =	sadd.s32 $0x15C00, s13;
	s13 =	sshrl.u32 s14, $0x3;
	s14 =	simm.s32 $0x3  }
.LBB2_1:
0x13: {  	[spmem:s13], [sflag:s6] =	dma.local [hbm:s5], $0x1400  }
0x14: {  	_ =	swait.ge [sflag:s14], $0x1400  }
0x15: {  	[sflag:s14] =	ssyncset.done $0x0  }
0x16: {  	[sflag:s14] =	ssyncadd.s32 $0xFFFFEC00  }
0x17: {  	[bflag:$0x0] =	sbarrier.arrive $0xFFFF  }
0x18: {  	[tilespmem:s3], [sflag:$0x3] =	stream.linear.gather [hbm4b:s7+s3], $0x1400, $0x38;
	[tilespmem:$0x10800] =	vst v63  }
0x19: {  	_ =	swait.ge [sflag:s14], $0x1400  }
0x1a: {  	[sflag:s14] =	ssyncset.done $0x0  }
0x1b: {  	[sflag:s14] =	ssyncadd.s32 $0xFFFFEC00  }
0x1c: {  	[tilespmem:s15], [sflag:$0x3] =	stream.linear.gather [hbm4b:s8+s3], $0x1400, $0x38;
	[tilespmem:$0x10800] =	vst v63  }
0x1d: {  	_ =	swait.ge [sflag:s14], $0x1400  }
0x1e: {  	[sflag:s14] =	ssyncset.done $0x0  }
0x1f: {  	[sflag:s14] =	ssyncadd.s32 $0xFFFFEC00  }
0x20: {  	[tilespmem:s17], [sflag:$0x1] =	stream.indirect.gather [hbm4b:s4+s16], $0x40, s3, s16, $0xb8;
	[tilespmem:$0x10800] =	vst v63  }
0x21: {  	s25 =	simm.s32 $0x80  }
0x22: {  	[tilespmem:s18], [sflag:$0x2] =	stream.indirect.gather [hbm4b:s4+s16], $0x40, s25, s16, $0xb8;
	[tilespmem:$0x10800] =	vst v63  }
0x23: {  	_ =	swait.ge [sflag:s19], $0x2000  }
0x24: {  	[sflag:s19] =	ssyncset.done $0x0  }
0x25: {  	s29 =	simm.s32 $0x1400;
	[sflag:s19] =	ssyncadd.s32 $0xFFFFE000  }
0x26: {  	[spmem:s2] =	stream.indirect.scatter.add.f32 [tilespmem:s17], [sflag:$0x3], $0x40, s29, s16, $0xb8;
	[tilespmem:$0x10800] =	vst v63  }
0x27: {  	_ =	swait.ge [sflag:s14], $0x2000  }
0x28: {  	[sflag:s14] =	ssyncset.done $0x0  }
0x29: {  	s30 =	simm.s32 $0x100;
	[sflag:s14] =	ssyncadd.s32 $0xFFFFE000  }
0x2a: {  	[tilespmem:s17], [sflag:$0x1] =	stream.indirect.gather [hbm4b:s4+s16], $0x40, s30, s16, $0xb8;
	[tilespmem:$0x10800] =	vst v63  }
0x2b: {  	_ =	swait.ge [sflag:s20], $0x2000  }
0x2c: {  	[sflag:s20] =	ssyncset.done $0x0  }
0x2d: {  	s31 =	simm.s32 $0x1480;
	[sflag:s20] =	ssyncadd.s32 $0xFFFFE000  }
0x2e: {  	[spmem:s2] =	stream.indirect.scatter.add.f32 [tilespmem:s18], [sflag:$0x3], $0x40, s31, s16, $0xb8;
	[tilespmem:$0x10800] =	vst v63  }
0x2f: {  	_ =	swait.ge [sflag:s14], $0x2000  }
0x30: {  	s26 =	simm.s32 $0x800;
	s25 =	simm.s32 $0x100;
	[sflag:s14] =	ssyncset.done $0x0  }
.LBB2_2:
0x31: {  	s28 =	sadd.s32 $0x80, s25  }
0x32: {  	[sflag:s14] =	ssyncadd.s32 $0xFFFFE000;
	s29 =	smov.u32 s26;
	s30 =	sadd.s32 $0x400, s26  }
0x33: {  	[tilespmem:s18], [sflag:$0x2] =	stream.indirect.gather [hbm4b:s4+s16], $0x40, s28, s16, $0xb8;
	[tilespmem:$0x10800] =	vst v63  }
0x34: {  	p0 =	sne.s32 s26, $0x4800;
	_ =	swait.ge [sflag:s19], $0x2000  }
0x35: {  	[sflag:s19] =	ssyncset.done $0x0  }
0x36: {  	s26 =	sadd.s32 $0x1400, s25;
	[sflag:s19] =	ssyncadd.s32 $0xFFFFE000  }
0x37: {  	[spmem:s2] =	stream.indirect.scatter.add.f32 [tilespmem:s17], [sflag:$0x3], $0x40, s26, s16, $0xb8;
	[tilespmem:$0x10800] =	vst v63  }
0x38: {  	_ =	swait.ge [sflag:s14], $0x2000  }
0x39: {  	[sflag:s14] =	ssyncset.done $0x0  }
0x3a: {  	s26 =	sadd.s32 $0x100, s25;
	[sflag:s14] =	ssyncadd.s32 $0xFFFFE000  }
0x3b: {  	[tilespmem:s17], [sflag:$0x1] =	stream.indirect.gather [hbm4b:s4+s16], $0x40, s26, s16, $0xb8;
	[tilespmem:$0x10800] =	vst v63  }
0x3c: {  	_ =	swait.ge [sflag:s20], $0x2000  }
.Ltmp0:
0x3d: {  	[sflag:s20] =	ssyncset.done $0x0;
	(pc) =	sbr.rel @p0 .LBB2_2-.Ltmp0, $4  }
0x3e: {  	s25 =	sadd.s32 $0x1480, s25;
	[sflag:s20] =	ssyncadd.s32 $0xFFFFE000  }
0x3f: {  	[spmem:s2] =	stream.indirect.scatter.add.f32 [tilespmem:s18], [sflag:$0x3], $0x40, s25, s16, $0xb8;
	[tilespmem:$0x10800] =	vst v63  }
0x40: {  	_ =	swait.ge [sflag:s14], $0x2000  }
0x41: {  	s26 =	smov.u32 s30;
	s25 =	sshra.s32 s29, $0x2;
	[sflag:s14] =	ssyncset.done $0x0  }
0x42: {  	s26 =	sadd.s32 $0x80, s25;
	[sflag:s14] =	ssyncadd.s32 $0xFFFFE000  }
0x43: {  	[tilespmem:s18], [sflag:$0x2] =	stream.indirect.gather [hbm4b:s4+s16], $0x40, s26, s16, $0xb8;
	[tilespmem:$0x10800] =	vst v63  }
0x44: {  	_ =	swait.ge [sflag:s19], $0x2000  }
0x45: {  	[sflag:s19] =	ssyncset.done $0x0  }
0x46: {  	s29 =	sadd.s32 $0x1400, s25;
	[sflag:s19] =	ssyncadd.s32 $0xFFFFE000  }
0x47: {  	[spmem:s2] =	stream.indirect.scatter.add.f32 [tilespmem:s17], [sflag:$0x3], $0x40, s29, s16, $0xb8;
	[tilespmem:$0x10800] =	vst v63  }
0x48: {  	_ =	swait.ge [sflag:s14], $0x2000  }
0x49: {  	[sflag:s14] =	ssyncset.done $0x0  }
0x4a: {  	s30 =	sadd.s32 $0x100, s25;
	[sflag:s14] =	ssyncadd.s32 $0xFFFFE000  }
0x4b: {  	[tilespmem:s17], [sflag:$0x1] =	stream.indirect.gather [hbm4b:s4+s16], $0x40, s30, s16, $0xb8;
	[tilespmem:$0x10800] =	vst v63  }
0x4c: {  	_ =	swait.ge [sflag:s20], $0x2000  }
0x4d: {  	[sflag:s20] =	ssyncset.done $0x0  }
0x4e: {  	s31 =	sadd.s32 $0x1480, s25;
	[sflag:s20] =	ssyncadd.s32 $0xFFFFE000  }
0x4f: {  	[spmem:s2] =	stream.indirect.scatter.add.f32 [tilespmem:s18], [sflag:$0x3], $0x40, s31, s16, $0xb8;
	[tilespmem:$0x10800] =	vst v63  }
0x50: {  	_ =	swait.ge [sflag:s14], $0x2000  }
0x51: {  	[sflag:s14] =	ssyncset.done $0x0  }
0x52: {  	[sflag:s14] =	ssyncadd.s32 $0xFFFFE000  }
0x53: {  	[tilespmem:s18], [sflag:$0x2] =	stream.indirect.gather [hbm4b:s4+s16], $0x40, s21, s16, $0xb8;
	[tilespmem:$0x10800] =	vst v63  }
0x54: {  	_ =	swait.ge [sflag:s19], $0x2000  }
0x55: {  	[sflag:s19] =	ssyncset.done $0x0  }
0x56: {  	[sflag:s19] =	ssyncadd.s32 $0xFFFFE000  }
0x57: {  	[spmem:s2] =	stream.indirect.scatter.add.f32 [tilespmem:s17], [sflag:$0x3], $0x40, s22, s16, $0xb8;
	[tilespmem:$0x10800] =	vst v63  }
0x58: {  	_ =	swait.ge [sflag:s14], $0x2000  }
0x59: {  	[sflag:s14] =	ssyncset.done $0x0  }
0x5a: {  	[sflag:s14] =	ssyncadd.s32 $0xFFFFE000  }
0x5b: {  	_ =	swait.ge [sflag:s20], $0x2000  }
0x5c: {  	[sflag:s20] =	ssyncset.done $0x0  }
0x5d: {  	[sflag:s20] =	ssyncadd.s32 $0xFFFFE000  }
0x5e: {  	[spmem:s2] =	stream.indirect.scatter.add.f32 [tilespmem:s18], [sflag:$0x3], $0x40, s23, s16, $0xb8;
	[tilespmem:$0x10800] =	vst v63  }
0x5f: {  	_ =	swait.ge [sflag:s14], $0x2000  }
0x60: {  	[sflag:s14] =	ssyncset.done $0x0  }
0x61: {  	s26 =	simm.s32 $0x0;
	[sflag:s14] =	ssyncadd.s32 $0xFFFFE000  }
0x62: {  	[tilespmem:s26], [sflag:$0x3] =	stream.linear.gather [hbm4b:s9+s26], $0x1400, $0x38;
	[tilespmem:$0x10800] =	vst v63  }
0x63: {  	_ =	swait.ge [sflag:s14], $0x1400  }
0x64: {  	[sflag:s14] =	ssyncset.done $0x0  }
0x65: {  	[sflag:s14] =	ssyncadd.s32 $0xFFFFEC00  }
0x66: {  	[tilespmem:s15], [sflag:$0x3] =	stream.linear.gather [hbm4b:s10+s26], $0x1400, $0x38;
	[tilespmem:$0x10800] =	vst v63  }
0x67: {  	_ =	swait.ge [sflag:s14], $0x1400  }
0x68: {  	[sflag:s14] =	ssyncset.done $0x0  }
0x69: {  	[sflag:s14] =	ssyncadd.s32 $0xFFFFEC00  }
0x6a: {  	[tilespmem:s17], [sflag:$0x1] =	stream.indirect.gather [hbm4b:s4+s16], $0x40, s26, s16, $0xb8;
	[tilespmem:$0x10800] =	vst v63  }
0x6b: {  	s28 =	simm.s32 $0x80  }
0x6c: {  	[tilespmem:s18], [sflag:$0x2] =	stream.indirect.gather [hbm4b:s4+s16], $0x40, s28, s16, $0xb8;
	[tilespmem:$0x10800] =	vst v63  }
0x6d: {  	_ =	swait.ge [sflag:s19], $0x2000  }
0x6e: {  	[sflag:s19] =	ssyncset.done $0x0  }
0x6f: {  	s29 =	simm.s32 $0x1400;
	[sflag:s19] =	ssyncadd.s32 $0xFFFFE000  }
0x70: {  	[spmem:s2] =	stream.indirect.scatter.add.f32 [tilespmem:s17], [sflag:$0x3], $0x40, s29, s16, $0xb8;
	[tilespmem:$0x10800] =	vst v63  }
0x71: {  	_ =	swait.ge [sflag:s14], $0x2000  }
0x72: {  	[sflag:s14] =	ssyncset.done $0x0  }
0x73: {  	s30 =	simm.s32 $0x100;
	[sflag:s14] =	ssyncadd.s32 $0xFFFFE000  }
0x74: {  	[tilespmem:s17], [sflag:$0x1] =	stream.indirect.gather [hbm4b:s4+s16], $0x40, s30, s16, $0xb8;
	[tilespmem:$0x10800] =	vst v63  }
0x75: {  	_ =	swait.ge [sflag:s20], $0x2000  }
0x76: {  	[sflag:s20] =	ssyncset.done $0x0  }
0x77: {  	s31 =	simm.s32 $0x1480;
	[sflag:s20] =	ssyncadd.s32 $0xFFFFE000  }
0x78: {  	[spmem:s2] =	stream.indirect.scatter.add.f32 [tilespmem:s18], [sflag:$0x3], $0x40, s31, s16, $0xb8;
	[tilespmem:$0x10800] =	vst v63  }
0x79: {  	_ =	swait.ge [sflag:s14], $0x2000  }
0x7a: {  	s25 =	simm.s32 $0x100;
	s26 =	simm.s32 $0x800;
	[sflag:s14] =	ssyncset.done $0x0  }
.LBB2_4:
0x7b: {  	s28 =	sadd.s32 $0x80, s25  }
0x7c: {  	[sflag:s14] =	ssyncadd.s32 $0xFFFFE000;
	s29 =	smov.u32 s26;
	s30 =	sadd.s32 $0x400, s26  }
0x7d: {  	[tilespmem:s18], [sflag:$0x2] =	stream.indirect.gather [hbm4b:s4+s16], $0x40, s28, s16, $0xb8;
	[tilespmem:$0x10800] =	vst v63  }
0x7e: {  	p0 =	sne.s32 s26, $0x4800;
	_ =	swait.ge [sflag:s19], $0x2000  }
0x7f: {  	[sflag:s19] =	ssyncset.done $0x0  }
0x80: {  	s26 =	sadd.s32 $0x1400, s25;
	[sflag:s19] =	ssyncadd.s32 $0xFFFFE000  }
0x81: {  	[spmem:s2] =	stream.indirect.scatter.add.f32 [tilespmem:s17], [sflag:$0x3], $0x40, s26, s16, $0xb8;
	[tilespmem:$0x10800] =	vst v63  }
0x82: {  	_ =	swait.ge [sflag:s14], $0x2000  }
0x83: {  	[sflag:s14] =	ssyncset.done $0x0  }
0x84: {  	s26 =	sadd.s32 $0x100, s25;
	[sflag:s14] =	ssyncadd.s32 $0xFFFFE000  }
0x85: {  	[tilespmem:s17], [sflag:$0x1] =	stream.indirect.gather [hbm4b:s4+s16], $0x40, s26, s16, $0xb8;
	[tilespmem:$0x10800] =	vst v63  }
0x86: {  	_ =	swait.ge [sflag:s20], $0x2000  }
.Ltmp1:
0x87: {  	[sflag:s20] =	ssyncset.done $0x0;
	(pc) =	sbr.rel @p0 .LBB2_4-.Ltmp1, $4  }
0x88: {  	s25 =	sadd.s32 $0x1480, s25;
	[sflag:s20] =	ssyncadd.s32 $0xFFFFE000  }
0x89: {  	[spmem:s2] =	stream.indirect.scatter.add.f32 [tilespmem:s18], [sflag:$0x3], $0x40, s25, s16, $0xb8;
	[tilespmem:$0x10800] =	vst v63  }
0x8a: {  	_ =	swait.ge [sflag:s14], $0x2000  }
0x8b: {  	s26 =	smov.u32 s30;
	s25 =	sshra.s32 s29, $0x2;
	[sflag:s14] =	ssyncset.done $0x0  }
0x8c: {  	s26 =	sadd.s32 $0x80, s25;
	[sflag:s14] =	ssyncadd.s32 $0xFFFFE000  }
0x8d: {  	[tilespmem:s18], [sflag:$0x2] =	stream.indirect.gather [hbm4b:s4+s16], $0x40, s26, s16, $0xb8;
	[tilespmem:$0x10800] =	vst v63  }
0x8e: {  	_ =	swait.ge [sflag:s19], $0x2000  }
0x8f: {  	[sflag:s19] =	ssyncset.done $0x0  }
0x90: {  	s29 =	sadd.s32 $0x1400, s25;
	[sflag:s19] =	ssyncadd.s32 $0xFFFFE000  }
0x91: {  	[spmem:s2] =	stream.indirect.scatter.add.f32 [tilespmem:s17], [sflag:$0x3], $0x40, s29, s16, $0xb8;
	[tilespmem:$0x10800] =	vst v63  }
0x92: {  	_ =	swait.ge [sflag:s14], $0x2000  }
0x93: {  	[sflag:s14] =	ssyncset.done $0x0  }
0x94: {  	s30 =	sadd.s32 $0x100, s25;
	[sflag:s14] =	ssyncadd.s32 $0xFFFFE000  }
0x95: {  	[tilespmem:s17], [sflag:$0x1] =	stream.indirect.gather [hbm4b:s4+s16], $0x40, s30, s16, $0xb8;
	[tilespmem:$0x10800] =	vst v63  }
0x96: {  	_ =	swait.ge [sflag:s20], $0x2000  }
0x97: {  	[sflag:s20] =	ssyncset.done $0x0  }
0x98: {  	s31 =	sadd.s32 $0x1480, s25;
	[sflag:s20] =	ssyncadd.s32 $0xFFFFE000  }
0x99: {  	[spmem:s2] =	stream.indirect.scatter.add.f32 [tilespmem:s18], [sflag:$0x3], $0x40, s31, s16, $0xb8;
	[tilespmem:$0x10800] =	vst v63  }
0x9a: {  	_ =	swait.ge [sflag:s14], $0x2000  }
0x9b: {  	[sflag:s14] =	ssyncset.done $0x0  }
0x9c: {  	[sflag:s14] =	ssyncadd.s32 $0xFFFFE000  }
0x9d: {  	[tilespmem:s18], [sflag:$0x2] =	stream.indirect.gather [hbm4b:s4+s16], $0x40, s21, s16, $0xb8;
	[tilespmem:$0x10800] =	vst v63  }
0x9e: {  	_ =	swait.ge [sflag:s19], $0x2000  }
0x9f: {  	[sflag:s19] =	ssyncset.done $0x0  }
0xa0: {  	[sflag:s19] =	ssyncadd.s32 $0xFFFFE000  }
0xa1: {  	[spmem:s2] =	stream.indirect.scatter.add.f32 [tilespmem:s17], [sflag:$0x3], $0x40, s22, s16, $0xb8;
	[tilespmem:$0x10800] =	vst v63  }
0xa2: {  	_ =	swait.ge [sflag:s14], $0x2000  }
0xa3: {  	[sflag:s14] =	ssyncset.done $0x0  }
0xa4: {  	[sflag:s14] =	ssyncadd.s32 $0xFFFFE000  }
0xa5: {  	_ =	swait.ge [sflag:s20], $0x2000  }
0xa6: {  	[sflag:s20] =	ssyncset.done $0x0  }
0xa7: {  	[sflag:s20] =	ssyncadd.s32 $0xFFFFE000  }
0xa8: {  	[spmem:s2] =	stream.indirect.scatter.add.f32 [tilespmem:s18], [sflag:$0x3], $0x40, s23, s16, $0xb8;
	[tilespmem:$0x10800] =	vst v63  }
0xa9: {  	_ =	swait.ge [sflag:s14], $0x2000  }
0xaa: {  	s24 =	sadd.s32 $0x1, s24;
	[sflag:s14] =	ssyncset.done $0x0  }
0xab: {  	p0 =	sne.s32 s24, s12;
	[sflag:s14] =	ssyncadd.s32 $0xFFFFE000  }
.Ltmp2:
0xac: {  	[bflag:$0x0] =	sbarrier.arrive $0xFFFF;
	(pc) =	sbr.rel @p0 .LBB2_1-.Ltmp2, $4  }
0xad: {  	[hbm:s11], [sflag:s6] =	dma.local [spmem:s13], $0x1400  }
0xae: {  	_ =	swait.ge [sflag:s14], $0x1400  }
0xaf: {  	[sflag:s14] =	ssyncset.done $0x0  }
0xb0: {  	[sflag:s14] =	ssyncadd.s32 $0xFFFFEC00  }
0xb1: {  	_ =	sfence.sel $0x180000  }
0xb2: {  	[bflag:$0x0] =	sbarrier.arrive $0xFFFF  }
0xb3: {  	p0 =	sne.s32 s1, $0x0;
	_ =	strace $0x9000004D  }
0xb4: {  	s0 =	sadd.s32 @!p0 $0x100000, s0;
	[bflag:$0x2] =	sbarrier.arrive $0xFFFF  }
0xb5: {  	[sflag:s0] =	ssyncadd.tile.s32 @!p0 $0x1;
	_ =	shalt  }
.Lfunc_end2:
_tile_overlayer_lowered:
.L_overlay_start_2:
0xb6: {  	(tag) =	ssettag $0x2  }
0xb7: {  	s0 =	rddreg [dreg:$0x0];
	s2 =	stileid.u32  }
0xb8: {  	s1 =	rddreg [dreg:$0x1];
	p0 =	sne.s32 s2, $0x0  }
0xb9: {  	s3 =	rddreg [dreg:$0x2];
	[bflag:$0x3] =	sbarrier.arrive $0xFFFF;
	s2 =	simm.s32 @!p0 $0x1C03  }
0xba: {  	[timem:s3], [sflag:s2] =	dma.local @!p0 [hbm:s0], s1  }
0xbb: {  	s0 =	simm.s32 @!p0 $0x3  }
0xbc: {  	_ =	swait.ge @!p0 [sflag:s0], s1  }
0xbd: {  	s1 =	ssub.s32 @!p0 $0x0, s1;
	[sflag:s0] =	ssyncset.done @!p0 $0x0  }
0xbe: {  	[sflag:s0] =	ssyncadd.s32 @!p0 s1  }
0xbf: {  	[bflag:$0x3] =	sbarrier.arrive $0xFFFF  }
0xc0: {  	_ =	shalt  }

// kernel: kernel.8.cloned.1.call-start
scs
__scs_entry_jumppad:
0x0: {  	(pc) =	sbr.rel $0x88, $3  }
0x1: {  	(tag) =	ssettag $0x0;
	lr =	simm.s32 $0x1  }
0x2: {  	[smem:$0x3F9B] =	sst lr;
	_ =	strace $0xD0000000  }
0x3: {  	_ = 	snop  }
0x4: {  	_ = 	snop  }
0x5: {  	_ = 	snop  }
0x6: {  	_ = 	snop  }
0x7: {  	_ = 	snop  }
__scs_overlays_trampoline_lowered:
0x8: {  	[smem:$0x3FAA] =	sst s0  }
0x9: {  	[smem:$0x3FAB] =	sst s1  }
0xa: {  	[smem:$0x3FAC] =	sst s2  }
0xb: {  	[smem:$0x3FAD] =	sst s3  }
0xc: {  	[smem:$0x3FAE] =	sst s4  }
0xd: {  	[smem:$0x3FAF] =	sst s5  }
0xe: {  	[smem:$0x3FB0] =	sst s6  }
0xf: {  	[smem:$0x3FB1] =	sst s7  }
0x10: {  	[smem:$0x3FB2] =	sst s8  }
0x11: {  	[smem:$0x3FB3] =	sst s9;
	s0 =	simm.s32 @!p0 $0x0  }
0x12: {  	s1 =	sld [smem:$0x3F99];
	s0 =	simm.s32 @p0 $0x1  }
0x13: {  	[smem:$0x3FB4] =	sst s0;
	s0 =	simm.s32 @!p1 $0x0  }
0x14: {  	s2 =	sld [smem:$0x3F98];
	s0 =	simm.s32 @p1 $0x1  }
0x15: {  	[smem:$0x3FB5] =	sst s0;
	s0 =	simm.s32 @!p2 $0x0  }
0x16: {  	s3 =	sld [smem:$0x3FDB];
	s0 =	simm.s32 @p2 $0x1  }
0x17: {  	s4 =	simm.s32 $0x1BF5;
	[smem:$0x3FB7] =	sst s0  }
0x18: {  	s0 =	sld [smem:$0x3F9A];
	_ =	swait.ge [sflag:s4], $0x0  }
0x19: {  	s7 =	sld [smem:$0x3F9B]  }
0x1a: {  	s8 =	sadd.s32 $0xFFFFE003, lr  }
0x1b: {  	s9 =	sadd.s32 $0xFFFFFEF7, lr;
	s5 =	simm.s32 $0xFFFFFFFF;
	p2 =	slt.u32 s8, $0xFFFFF086  }
0x1c: {  	p1 =	slt.u32 s9, $0xF7A;
	s5 =	simm.s32 @!p2 $0x0  }
0x1d: {  	s5 =	simm.s32 @p1 $0x1;
	p0 =	seq.s32 s7, s2  }
0x1e: {  	s7 =	smul.u32 @!p0 $0xF7A, s2;
	p2 =	seq.s32 @!p0 s5, $0x0  }
0x1f: {  	s9 =	smul.u32 $0xF7A, s1;
	s8 =	simm.s32 @!p0 $0x1BF5;
	p2 =	por !p2, p0  }
0x20: {  	[sflag:s8] =	ssyncset.s32 @!p0 $0xFFFFF086;
	s6 =	sadd.s32 @!p0 s3, s7;
	s7 =	simm.s32 @!p0 $0x108  }
0x21: {  	s3 =	sadd.s32 s3, s9;
	s6 =	sadd.s32 @!p0 $0x88, s6;
	s7 =	simm.s32 @p2 $0x1082  }
0x22: {  	[simem:s7], [sflag:s8] =	dma.local @!p0 [hbm:s6], $0xF7A  }
0x23: {  	s9 =	sor.u32 $0xD0000000, s2;
	s6 =	simm.s32 $0x108;
	_ =	swait.ge @!p0 [sflag:s8], $0x0  }
0x24: {  	s3 =	sadd.s32 $0x88, s3;
	s6 =	simm.s32 @!p1 $0x1082;
	[sflag:s4] =	ssyncset.s32 $0xFFFFF086  }
0x25: {  	[simem:s6], [sflag:s4] =	dma.local [hbm:s3], $0xF7A  }
0x26: {  	[smem:$0x3F9B] =	sst s1;
	(tag) =	ssettag s2;
	_ =	strace s9  }
0x27: {  	s1 =	sld [smem:$0x3FAB]  }
0x28: {  	s2 =	sld [smem:$0x3FAC]  }
0x29: {  	s4 =	sld [smem:$0x3FAE]  }
0x2a: {  	p0 =	seq.s32 s5, $0x0;
	s5 =	sld [smem:$0x3FAF]  }
0x2b: {  	s6 =	sld [smem:$0x3FB0]  }
0x2c: {  	s7 =	sld [smem:$0x3FB1]  }
0x2d: {  	s3 =	simm.s32 $0x108;
	s8 =	sld [smem:$0x3FB2]  }
0x2e: {  	s3 =	simm.s32 @!p0 $0x1082;
	s9 =	sld [smem:$0x3FB3]  }
0x2f: {  	lr =	sadd.s32 s0, s3;
	s0 =	sld [smem:$0x3FAA]  }
0x30: {  	s3 =	sld [smem:$0x3FAD]  }
0x31: {  	[smem:$0x3FB6] =	sst s10  }
0x32: {  	s10 =	sld [smem:$0x3FB4];
	_ =	sdelay $0x3  }
0x33: {  	p0 =	seq.s32 s10, $0x1;
	s10 =	sld [smem:$0x3FB6];
	_ =	sdelay $0x3  }
0x34: {  	[smem:$0x3FB6] =	sst s10  }
0x35: {  	s10 =	sld [smem:$0x3FB5];
	_ =	sdelay $0x3  }
0x36: {  	p1 =	seq.s32 s10, $0x1;
	s10 =	sld [smem:$0x3FB6];
	_ =	sdelay $0x3  }
0x37: {  	[smem:$0x3FB6] =	sst s10  }
0x38: {  	s10 =	sld [smem:$0x3FB7]  }
0x39: {  	_ = 	snop;
	(pc) =	sbr.ind lr, $3  }
0x3a: {  	_ = 	snop  }
0x3b: {  	_ = 	snop  }
0x3c: {  	p2 =	seq.s32 s10, $0x1;
	s10 =	sld [smem:$0x3FB6]  }
0x3d: {  	_ =	shalt  }
0x3e: {  	_ =	shalt  }
0x3f: {  	_ =	shalt  }
0x40: {  	_ =	shalt  }
0x41: {  	_ =	shalt  }
0x42: {  	_ =	shalt  }
0x43: {  	_ =	shalt  }
0x44: {  	_ =	shalt  }
0x45: {  	_ =	shalt  }
0x46: {  	_ =	shalt  }
0x47: {  	_ =	shalt  }
0x48: {  	_ =	shalt  }
0x49: {  	_ =	shalt  }
0x4a: {  	_ =	shalt  }
0x4b: {  	_ =	shalt  }
0x4c: {  	_ =	shalt  }
0x4d: {  	_ =	shalt  }
0x4e: {  	_ =	shalt  }
0x4f: {  	_ =	shalt  }
0x50: {  	_ =	shalt  }
0x51: {  	_ =	shalt  }
0x52: {  	_ =	shalt  }
0x53: {  	_ =	shalt  }
0x54: {  	_ =	shalt  }
0x55: {  	_ =	shalt  }
0x56: {  	_ =	shalt  }
0x57: {  	_ =	shalt  }
0x58: {  	_ =	shalt  }
0x59: {  	_ =	shalt  }
0x5a: {  	_ =	shalt  }
0x5b: {  	_ =	shalt  }
0x5c: {  	_ =	shalt  }
0x5d: {  	_ =	shalt  }
0x5e: {  	_ =	shalt  }
0x5f: {  	_ =	shalt  }
0x60: {  	_ =	shalt  }
0x61: {  	_ =	shalt  }
0x62: {  	_ =	shalt  }
0x63: {  	_ =	shalt  }
0x64: {  	_ =	shalt  }
0x65: {  	_ =	shalt  }
0x66: {  	_ =	shalt  }
0x67: {  	_ =	shalt  }
0x68: {  	_ =	shalt  }
0x69: {  	_ =	shalt  }
0x6a: {  	_ =	shalt  }
0x6b: {  	_ =	shalt  }
0x6c: {  	_ =	shalt  }
0x6d: {  	_ =	shalt  }
0x6e: {  	_ =	shalt  }
0x6f: {  	_ =	shalt  }
0x70: {  	_ =	shalt  }
0x71: {  	_ =	shalt  }
0x72: {  	_ =	shalt  }
0x73: {  	_ =	shalt  }
0x74: {  	_ =	shalt  }
0x75: {  	_ =	shalt  }
0x76: {  	_ =	shalt  }
0x77: {  	_ =	shalt  }
0x78: {  	_ =	shalt  }
0x79: {  	_ =	shalt  }
0x7a: {  	_ =	shalt  }
0x7b: {  	_ =	shalt  }
0x7c: {  	_ =	shalt  }
0x7d: {  	_ =	shalt  }
0x7e: {  	_ =	shalt  }
0x7f: {  	_ =	shalt  }
0x80: {  	_ =	shalt  }
0x81: {  	_ =	shalt  }
0x82: {  	_ =	shalt  }
0x83: {  	_ =	shalt  }
0x84: {  	_ =	shalt  }
0x85: {  	_ =	shalt  }
0x86: {  	_ =	shalt  }
0x87: {  	_ =	shalt  }
.Lfunc_end0:
.L_simem_size_0:
called_computation_lowered:
.L_overlay_start_0:
0x88: {  	s2 =	sld [smem:$0x3FD9]  }
0x89: {  	s3 =	sld [smem:$0x3FFE];
	_ =	sdelay $0x1  }
0x8a: {  	s1 =	srdreg.scid  }
0x8b: {  	s0 =	sand.u32 $0x1, s1  }
0x8c: {  	s17 =	sshll.u32 s0, $0xA;
	s2 =	sadd.s32 s3, s2  }
0x8d: {  	s2 =	sadd.s32 s2, s17  }
0x8e: {  	[smem:$0x3FC2] =	sst s2  }
0x8f: {  	_ = 	snop  }
0x90: {  	s2 =	sld [smem:$0x3FD0];
	(tm) =	ssettm $0x1  }
0x91: {  	s18 =	sld [smem:$0x3FFB];
	_ =	sdelay $0x3  }
0x92: {  	_ =	strace s18  }
0x93: {  	s3 =	sld [smem:$0x3FFC];
	_ =	sdelay $0x3  }
0x94: {  	_ =	strace s3  }
0x95: {  	s3 =	sld [smem:$0x3FFD];
	_ =	sdelay $0x3  }
0x96: {  	_ =	strace s3  }
0x97: {  	_ =	strace $0x8FFFFFFF  }
0x98: {  	s19 =	sld [smem:$0x3FDB];
	_ =	sdelay $0x1  }
0x99: {  	s4 =	simm.s32 $_scs_section_size  }
0x9a: {  	s5 =	simm.s32 $_size__tile_overlayer_lowered;
	s6 =	simm.s32 $_tile_overlayer_lowered  }
0x9b: {  	s22 =	simm.s32 $0x1BFF;
	s21 =	sshll.u32 s6, $0x1;
	s3 =	sadd.s32 s4, s19  }
0x9c: {  	s7 =	simm.s32 $0x0;
	s20 =	sshll.u32 s5, $0x1;
	s5 =	sadd.s32 s21, s3  }
0x9d: {  	[timem:s7], [sflag:s22] =	dma.local [hbm:s5], s20  }
0x9e: {  	_ =	swait.ge [sflag:s22], s20  }
0x9f: {  	s4 =	ssub.s32 $0x0, s20;
	[sflag:s22] =	ssyncset.done $0x0  }
0xa0: {  	[sflag:s22] =	ssyncadd.s32 s4;
	_ =	sdelay $0x1  }
0xa1: {  	s23 =	simm.s32 $0x1B8B  }
0xa2: {  	_ =	swait.ge [sflag:s23], $0x1  }
0xa3: {  	[sflag:s23] =	ssyncset.done $0x0  }
0xa4: {  	s25 =	simm.s32 $0x1B8E;
	s24 =	sld [smem:$0x3FFE];
	[sflag:s23] =	ssyncadd.s32 $0xFFFFFFFF  }
0xa5: {  	s26 =	simm.s32 $execute0_lowered;
	[smem:$0x3FD2] =	sst s25  }
0xa6: {  	s5 =	sshll.u32 s26, $0x1;
	_ =	strace $0x80000046;
	[dreg:$0x1] =	wrdreg $0xFFFFFFFF  }
0xa7: {  	s28 =	simm.s32 $_size_execute0_lowered;
	s3 =	sadd.s32 s3, s5;
	[dreg:$0x0] =	wrdreg $0x0  }
0xa8: {  	s5 =	sshll.u32 s28, $0x1;
	[dreg:$0x2] =	wrdreg s3  }
0xa9: {  	[dreg:$0x3] =	wrdreg s5  }
0xaa: {  	[dreg:$0x4] =	wrdreg $0xC0  }
0xab: {  	_ =	task [dreg:s7], $0x5FFFF  }
0xac: {  	[dreg:$0x1] =	wrdreg $0xFFFFFFFF  }
0xad: {  	[dreg:$0x0] =	wrdreg $0x60  }
0xae: {  	[dreg:$0x2] =	wrdreg s2  }
0xaf: {  	[dreg:$0x3] =	wrdreg s24  }
0xb0: {  	[dreg:$0x4] =	wrdreg $0x28800  }
0xb1: {  	[dreg:$0x5] =	wrdreg $0x9  }
0xb2: {  	_ =	task.clear_ibuf [dreg:s7], $0x6FFFF;
	_ =	strace $0x90000046  }
0xb3: {  	s29 =	simm.s32 $0x9;
	_ =	strace $0x80000048  }
0xb4: {  	_ =	swait.ge [sflag:s29], $0x1  }
0xb5: {  	[sflag:s29] =	ssyncadd.s32 $0xFFFFFFFF  }
0xb6: {  	_ =	strace $0x90000048  }
0xb7: {  	_ =	sfence  }
0xb8: {  	s30 =	sld [smem:$0x0];
	_ =	sdelay $0x2  }
0xb9: {  	s31 =	sshll.u32 s1, $0xD;
	s1 =	sshrl.u32 s1, $0x2  }
0xba: {  	s3 =	sand.u32 $0x4000, s31;
	s1 =	sadd.s32 s1, s30  }
0xbb: {  	s0 =	sor.u32 s3, s0;
	s1 =	sshll.u32 s1, $0x11  }
0xbc: {  	s0 =	sor.u32 s1, s0  }
0xbd: {  	s0 =	sadd.s32 $0x8F2B, s0  }
0xbe: {  	[sflag:s0] =	ssyncadd.remote.s32 $0x1  }
0xbf: {  	_ =	sfence.sel $0xFFFF  }
0xc0: {  	[dreg:$0x0] =	wrdreg $0xFFFFFFFF;
	(pc) =	sbr.abs _section_cstart, $3  }
0xc1: {  	[dreg:$0x1] =	wrdreg $0xFFFFFFFF  }
0xc2: {  	_ =	task.clear_ibuf [dreg:s7], $0x2FFFF;
	_ =	strace $0x9FFFFFFF  }
0xc3: {  	(tm) =	ssettm $0x7FFFFFFF  }
tec
execute0_lowered:
.L_overlay_start_1:
0x0: {  	(tag) =	ssettag $0x1  }
0x1: {  	s6 =	rddreg [dreg:$0x0]  }
0x2: {  	s4 =	rddreg [dreg:$0x1]  }
0x3: {  	s2 =	rddreg [dreg:$0x2]  }
0x4: {  	s0 =	rddreg [dreg:$0x3]  }
0x5: {  	s1 =	stileid.u32;
	s5 =	srdreg.scid;
	s3 =	simm.s32 $0x0  }
0x6: {  	s7 =	smul.u32 $0x280, s1;
	s5 =	sand.u32 $0x1, s5;
	[smem:$0x7FF] =	sst s3  }
0x7: {  	s31 =	sshll.u32 s1, $0x6;
	s8 =	smul.u32 $0x2800, s5;
	_ =	strace $0x80000047  }
0x8: {  	s10 =	sshll.u32 s5, $0x4;
	s5 =	ssub.s32 $0x2, s5;
	s9 =	sshrl.u32 s7, $0x3  }
0x9: {  	s10 =	sor.u32 s1, s10;
	s30 =	sshrl.u32 s5, $0x1;
	s12 =	sadd.s32 s7, s2  }
0xa: {  	s9 =	sadd.s32 s9, s4;
	s8 =	sadd.s32 s7, s8;
	s10 =	smul.u32 $0x500, s10  }
0xb: {  	s11 =	ssub.s32 s5, s30;
	s5 =	sor.u32 $0x1C01, s31;
	s8 =	sshrl.u32 s8, $0x3  }
0xc: {  	s8 =	sadd.s32 s8, s4;
	s4 =	sadd.s32 $0x1C00, s9;
	s6 =	sadd.s32 s6, s10  }
0xd: {  	s9 =	sshrl.u32 s12, $0x3;
	s10 =	simm.s32 $0x1;
	s12 =	simm.s32 $0x0  }
0xe: {  	v0 =	vimm.f32 $1.000000000e+00;
	s7 =	sadd.s32 $0x2200, s8;
	s8 =	smax.u32 s11, $0x1;
	s11 =	simm.s32 $0x80  }
.LBB2_1:
0xf: {  	[tilespmem:$0x0] =	vst v0  }
0x10: {  	[tilespmem:$0x10] =	vst v0  }
0x11: {  	[tilespmem:$0x20] =	vst v0  }
0x12: {  	[tilespmem:$0x30] =	vst v0  }
0x13: {  	[tilespmem:$0x40] =	vst v0  }
0x14: {  	[tilespmem:$0x50] =	vst v0  }
0x15: {  	[tilespmem:$0x60] =	vst v0  }
0x16: {  	[tilespmem:$0x70] =	vst v0  }
0x17: {  	[spmem:s9], [sflag:s5] =	dma.local [hbm:s4], $0x50  }
0x18: {  	_ =	swait.ge [sflag:s10], $0x50  }
0x19: {  	[sflag:s10] =	ssyncset.done $0x0  }
0x1a: {  	[sflag:s10] =	ssyncadd.s32 $0xFFFFFFB0  }
0x1b: {  	[bflag:$0x0] =	sbarrier.arrive $0xFFFF  }
0x1c: {  	[tilespmem:s11], [sflag:$0x1] =	stream.linear.gather [hbm4b:s6+s3], $0x2800, $0x38;
	[tilespmem:$0x2B00] =	vst v63  }
0x1d: {  	_ =	swait.ge [sflag:s10], $0x2800  }
0x1e: {  	[sflag:s10] =	ssyncset.done $0x0  }
0x1f: {  	s13 =	simm.s32 $0x80;
	[sflag:s10] =	ssyncadd.s32 $0xFFFFD800  }
0x20: {  	[spmem:s2] =	stream.indirect.scatter.add.f32 [tilespmem:s3], [sflag:$0x1], $0x1, s13, s11, $0xb8;
	[tilespmem:$0x2B00] =	vst v63  }
0x21: {  	s13 =	simm.s32 $0x200;
	_ =	swait.ge [sflag:s10], $0x80  }
.LBB2_2:
0x22: {  	s14 =	sshra.s32 s13, $0x2;
	[sflag:s10] =	ssyncset.done $0x0;
	p0 =	sne.s32 s13, $0x9E00  }
.Ltmp0:
0x23: {  	s14 =	sadd.s32 $0x80, s14;
	[sflag:s10] =	ssyncadd.s32 $0xFFFFFF80;
	(pc) =	sbr.rel @p0 .LBB2_2-.Ltmp0, $3  }
0x24: {  	[spmem:s2] =	stream.indirect.scatter.add.f32 [tilespmem:s3], [sflag:$0x1], $0x1, s14, s11, $0xb8;
	[tilespmem:$0x2B00] =	vst v63  }
0x25: {  	s13 =	sadd.s32 $0x200, s13;
	_ =	sdelay $0x1  }
0x26: {  	_ =	swait.ge [sflag:s10], $0x80  }
0x27: {  	[sflag:s10] =	ssyncset.done $0x0;
	s12 =	sadd.s32 $0x1, s12  }
0x28: {  	[sflag:s10] =	ssyncadd.s32 $0xFFFFFF80;
	p0 =	sne.s32 s12, s8  }
.Ltmp1:
0x29: {  	[bflag:$0x0] =	sbarrier.arrive $0xFFFF;
	(pc) =	sbr.rel @p0 .LBB2_1-.Ltmp1, $4  }
0x2a: {  	[hbm:s7], [sflag:s5] =	dma.local [spmem:s9], $0x50  }
0x2b: {  	_ =	swait.ge [sflag:s10], $0x50  }
0x2c: {  	[sflag:s10] =	ssyncset.done $0x0  }
0x2d: {  	[sflag:s10] =	ssyncadd.s32 $0xFFFFFFB0  }
0x2e: {  	_ =	sfence.sel $0x180000  }
0x2f: {  	[bflag:$0x0] =	sbarrier.arrive $0xFFFF  }
0x30: {  	p0 =	sne.s32 s1, $0x0;
	_ =	strace $0x90000047  }
0x31: {  	s0 =	sadd.s32 @!p0 $0x100000, s0;
	[bflag:$0x2] =	sbarrier.arrive $0xFFFF  }
0x32: {  	[sflag:s0] =	ssyncadd.tile.s32 @!p0 $0x1;
	_ =	shalt  }
.Lfunc_end2:
_tile_overlayer_lowered:
.L_overlay_start_2:
0x33: {  	(tag) =	ssettag $0x2  }
0x34: {  	s0 =	rddreg [dreg:$0x0];
	s2 =	stileid.u32  }
0x35: {  	s1 =	rddreg [dreg:$0x1];
	p0 =	sne.s32 s2, $0x0  }
0x36: {  	s3 =	rddreg [dreg:$0x2];
	[bflag:$0x3] =	sbarrier.arrive $0xFFFF;
	s2 =	simm.s32 @!p0 $0x1C01  }
0x37: {  	[timem:s3], [sflag:s2] =	dma.local @!p0 [hbm:s0], s1  }
0x38: {  	s0 =	simm.s32 @!p0 $0x1  }
0x39: {  	_ =	swait.ge @!p0 [sflag:s0], s1  }
0x3a: {  	s1 =	ssub.s32 @!p0 $0x0, s1;
	[sflag:s0] =	ssyncset.done @!p0 $0x0  }
0x3b: {  	[sflag:s0] =	ssyncadd.s32 @!p0 s1  }
0x3c: {  	[bflag:$0x3] =	sbarrier.arrive $0xFFFF  }
0x3d: {  	_ =	shalt  }

</sc_bundles>
